<compile_context>
chip_gen: v7x
topology: tpu7x:2x2x1
jax: 0.10.2.dev20260603
libtpu: 0.0.44.dev20260713+nightly
codegen_flags: <defaults>
</compile_context>

<pallas_src>
import functools

import jax
import jax.numpy as jnp
from jax import lax
from jax.experimental import pallas as pl
from jax.experimental.pallas import tpu as pltpu
from jax.experimental.pallas import tpu_sc as plsc

B = 16384
NC, NS = 2, 16
NW = NC * NS
BPW = B // NW
NGRP = BPW // 16
NCHUNK = BPW // 128
ISTREAM = 4
IGRP0 = ISTREAM * 8
D = 16
NU, NI, NG = 1000, 500, 48
TAIL = NI + NG

_mesh = plsc.VectorSubcoreMesh(core_axis_name="c", subcore_axis_name="s")


@functools.partial(
    pl.kernel,
    mesh=_mesh,
    compiler_params=pltpu.CompilerParams(
        use_tc_tiling_on_sc=False, needs_layout_passes=False),
    out_type=[
        jax.ShapeDtypeStruct((B, D), jnp.float32),
        jax.ShapeDtypeStruct((B, D), jnp.float32),
        jax.ShapeDtypeStruct((B, D), jnp.float32),
    ],
    scratch_types=[
        pltpu.VMEM((NCHUNK, 128), jnp.int32),
        pltpu.VMEM((ISTREAM, 128), jnp.int32),
        pltpu.VMEM((BPW,), jnp.int32),
        pltpu.VMEM((BPW,), jnp.int32),
        pltpu.VMEM((BPW,), jnp.int32),
        pltpu.VMEM((NG, D), jnp.float32),
        pltpu.VMEM((BPW, D), jnp.float32),
        pltpu.VMEM((BPW, D), jnp.float32),
        pltpu.VMEM((BPW, D), jnp.float32),
        pltpu.SemaphoreType.DMA,
        pltpu.SemaphoreType.DMA,
        pltpu.SemaphoreType.DMA,
        pltpu.SemaphoreType.DMA,
    ],
)
def _sc_gather(uid_hbm, iid_hbm, g_hbm, h_hbm, table,
               out_u, out_i, out_gh,
               idx_u, idx_is, idx_i, g_v, h_v, tab_g,
               rows_u, rows_i, rows_gh, sem_idx, sem_tab, sem_gu, sem_store):
    wid = lax.axis_index("s") * NC + lax.axis_index("c")
    base = wid * BPW
    s = pl.ds(base, BPW)
    icps = [pltpu.async_copy(iid_hbm.at[s], idx_i, sem_idx),
            pltpu.async_copy(g_hbm.at[s], g_v, sem_idx),
            pltpu.async_copy(h_hbm.at[s], h_v, sem_idx)]
    for j in range(NCHUNK):
        icps.append(pltpu.async_copy(
            uid_hbm.at[pl.ds(base + j * 128, 128)], idx_u.at[j], sem_idx))
    tcp = pltpu.async_copy(table.at[pl.ds(NU + NI, NG)], tab_g, sem_tab)
    for cp in icps:
        cp.wait()
    gcps = []
    for j in range(NCHUNK):
        gcps.append(pltpu.async_copy(
            table.at[idx_u.at[j]], rows_u.at[pl.ds(j * 128, 128)], sem_gu))
    for j in range(ISTREAM):
        for t in range(8):
            sl = pl.ds(j * 128 + t * 16, 16)
            idx_is[j, pl.ds(t * 16, 16)] = idx_i[sl] + NU
    for j in range(ISTREAM):
        gcps.append(pltpu.async_copy(
            table.at[idx_is.at[j]], rows_i.at[pl.ds(j * 128, 128)], sem_gu))
    tcp.wait()
    iota16 = lax.iota(jnp.int32, 16)
    cols = [jnp.full((16,), c, jnp.int32) for c in range(D)]

    @plsc.parallel_loop(0, NGRP, unroll=4)
    def _loop_g(gi):
        off = gi * 16
        sl = pl.ds(off, 16)
        smp = off + iota16
        rg = g_v[sl] * 24 + h_v[sl]
        for c in range(D):
            plsc.store_scatter(rows_gh, [smp, cols[c]],
                               plsc.load_gather(tab_g, [rg, cols[c]]))

    for cp in gcps:
        cp.wait()
    o = pl.ds(base, BPW)
    scps = [pltpu.async_copy(rows_u, out_u.at[o], sem_store),
            pltpu.async_copy(rows_i, out_i.at[o], sem_store),
            pltpu.async_copy(rows_gh, out_gh.at[o], sem_store)]
    for cp in scps:
        cp.wait()


ROWS = B // 8
RBLK = 1024


def _mlp_body(u_ref, i_ref, gh_ref, w1u_ref, w1i_ref, w1gh_ref, b1_ref,
              w2_ref, b2_ref, out_ref):
    b1v = b1_ref[...]
    b1big = jnp.concatenate([b1v] * 8, axis=1)
    y = (jnp.dot(u_ref[...], w1u_ref[...], preferred_element_type=jnp.float32)
         + jnp.dot(i_ref[...], w1i_ref[...], preferred_element_type=jnp.float32)
         + jnp.dot(gh_ref[...], w1gh_ref[...], preferred_element_type=jnp.float32)
         + b1big)
    y = jnp.maximum(y, 0.0)
    o = jnp.dot(y, w2_ref[...], preferred_element_type=jnp.float32) + b2_ref[...]
    out_ref[...] = o


_mlp = pl.pallas_call(
    _mlp_body,
    grid=(ROWS // RBLK,),
    in_specs=[
        pl.BlockSpec((RBLK, 128), lambda k: (k, 0)),
        pl.BlockSpec((RBLK, 128), lambda k: (k, 0)),
        pl.BlockSpec((RBLK, 128), lambda k: (k, 0)),
        pl.BlockSpec((128, 256), lambda k: (0, 0)),
        pl.BlockSpec((128, 256), lambda k: (0, 0)),
        pl.BlockSpec((128, 256), lambda k: (0, 0)),
        pl.BlockSpec((1, 32), lambda k: (0, 0)),
        pl.BlockSpec((256, 8), lambda k: (0, 0)),
        pl.BlockSpec((1, 1), lambda k: (0, 0)),
    ],
    out_specs=pl.BlockSpec((RBLK, 8), lambda k: (k, 0)),
    out_shape=jax.ShapeDtypeStruct((ROWS, 8), jnp.float32),
)


def kernel(user_id, item_id, gender, hour, user_emb, item_emb, gender_emb,
           hour_emb, W1, b1, W2, b2):
    uid = user_id.astype(jnp.int32)
    iid = item_id.astype(jnp.int32)
    g = gender.astype(jnp.int32)
    h = hour.astype(jnp.int32)
    ar = jnp.arange(48)
    gh_table = jnp.concatenate(
        [jnp.take(gender_emb, ar // 24, axis=0),
         jnp.take(hour_emb, ar % 24, axis=0),
         jnp.zeros((48, 8), jnp.float32)], axis=1)
    table = jnp.concatenate([user_emb, item_emb, gh_table], axis=0)
    u, i, gh = _sc_gather(uid, iid, g, h, table)
    eye8 = jnp.eye(8, dtype=jnp.float32)
    w1gh = jnp.concatenate([W1[32:40], jnp.zeros((8, 32), W1.dtype)], axis=0)
    w1u_big = jnp.kron(eye8, W1[0:16])
    w1i_big = jnp.kron(eye8, W1[16:32])
    w1gh_big = jnp.kron(eye8, w1gh)
    w2_big = jnp.kron(eye8, W2)
    out = _mlp(u.reshape(ROWS, 128), i.reshape(ROWS, 128), gh.reshape(ROWS, 128),
               w1u_big, w1i_big, w1gh_big, b1.reshape(1, 32), w2_big,
               b2.reshape(1, 1))
    return out.reshape(B, 1)

# --- scband reference (transcript-rebuilt; emitter-appended) ---
"""Pipeline reference for scband-ctrmodel-37366215475762 (READ-ONLY COPY).

The authoritative reference and input builder live on the scoring server;
editing this copy changes nothing except your own understanding.
"""

import jax, jax.numpy as jnp
import numpy as np

B = 16384

def setup_inputs(seed: int = 0) -> dict:
    key = jax.random.key(seed)
    ks = jax.random.split(key, 12)
    user_id = jax.random.randint(ks[0], (B,), 0, 1000)
    item_id = jax.random.randint(ks[1], (B,), 0, 500)
    gender = jax.random.randint(ks[2], (B,), 0, 2)
    hour = jax.random.randint(ks[3], (B,), 0, 24)
    user_emb = jax.random.normal(ks[4], (1000, 16), dtype=jnp.float32)
    item_emb = jax.random.normal(ks[5], (500, 16), dtype=jnp.float32)
    gender_emb = jax.random.normal(ks[6], (2, 4), dtype=jnp.float32)
    hour_emb = jax.random.normal(ks[7], (24, 4), dtype=jnp.float32)
    W1 = jax.random.normal(ks[8], (40, 32), dtype=jnp.float32) * 0.1
    b1 = jnp.zeros((32,), dtype=jnp.float32)
    W2 = jax.random.normal(ks[9], (32, 1), dtype=jnp.float32) * 0.1
    b2 = jnp.zeros((1,), dtype=jnp.float32)
    return {"user_id": user_id, "item_id": item_id, "gender": gender, "hour": hour,
            "user_emb": user_emb, "item_emb": item_emb, "gender_emb": gender_emb, "hour_emb": hour_emb,
            "W1": W1, "b1": b1, "W2": W2, "b2": b2}

def reference(user_id, item_id, gender, hour, user_emb, item_emb, gender_emb, hour_emb, W1, b1, W2, b2):
    u = jnp.take(user_emb, user_id, axis=0)
    i = jnp.take(item_emb, item_id, axis=0)
    g = jnp.take(gender_emb, gender, axis=0)
    h = jnp.take(hour_emb, hour, axis=0)
    x = jnp.concatenate([u, i, g, h], axis=1)
    hidden = jnp.maximum(x @ W1 + b1, 0.0)
    logit = hidden @ W2 + b2
    return logit

if __name__ == "__main__":
    import jax
    _d = setup_inputs()
    print(jax.jit(kernel)(*tuple(_d.values())))

</pallas_src>

<mosaic_0001>
#map = affine_map<(d0, d1) -> (0)>
#map1 = affine_map<(d0, d1) -> (0, 0)>
module attributes {stable_mosaic.version = 14 : i64} {
  func.func @_sc_gather(%arg0: i32, %arg1: i32, %arg2: memref<16384xi32, #tpu.memory_space<hbm>>, %arg3: memref<16384xi32, #tpu.memory_space<hbm>>, %arg4: memref<16384xi32, #tpu.memory_space<hbm>>, %arg5: memref<16384xi32, #tpu.memory_space<hbm>>, %arg6: memref<1548x16xf32, #tpu.memory_space<hbm>>, %arg7: memref<16384x16xf32, #tpu.memory_space<hbm>>, %arg8: memref<16384x16xf32, #tpu.memory_space<hbm>>, %arg9: memref<16384x16xf32, #tpu.memory_space<hbm>>, %arg10: memref<4x128xi32, #tpu.memory_space<vmem>>, %arg11: memref<4x128xi32, #tpu.memory_space<vmem>>, %arg12: memref<512xi32, #tpu.memory_space<vmem>>, %arg13: memref<512xi32, #tpu.memory_space<vmem>>, %arg14: memref<512xi32, #tpu.memory_space<vmem>>, %arg15: memref<48x16xf32, #tpu.memory_space<vmem>>, %arg16: memref<512x16xf32, #tpu.memory_space<vmem>>, %arg17: memref<512x16xf32, #tpu.memory_space<vmem>>, %arg18: memref<512x16xf32, #tpu.memory_space<vmem>>, %arg19: memref<!tpu.dma_semaphore, #tpu.memory_space<semaphore_mem>>, %arg20: memref<!tpu.dma_semaphore, #tpu.memory_space<semaphore_mem>>, %arg21: memref<!tpu.dma_semaphore, #tpu.memory_space<semaphore_mem>>, %arg22: memref<!tpu.dma_semaphore, #tpu.memory_space<semaphore_mem>>) attributes {dimension_semantics = [#tpu.dimension_semantics<core_parallel>, #tpu.dimension_semantics<subcore_parallel>], iteration_bounds = array<i64: 2, 16>, scalar_prefetch = 0 : i64, scratch_operands = 13 : i64, tpu.core_type = #tpu.core_type<sc_vector_subcore>, window_params = [{transform_indices = #map}, {transform_indices = #map}, {transform_indices = #map}, {transform_indices = #map}, {transform_indices = #map1}, {transform_indices = #map1}, {transform_indices = #map1}, {transform_indices = #map1}]} {
    %mul3A = arith.constant 2 : i32
    %mul3A_0 = arith.muli %arg1, %mul3A : i32
    %add3A = arith.addi %mul3A_0, %arg0 : i32
    %mul3A_1 = arith.constant 512 : i32
    %mul3A_2 = arith.muli %add3A, %mul3A_1 : i32
    %dma_start3A = tpu.memref_slice %arg3[%mul3A_2] : memref<16384xi32, #tpu.memory_space<hbm>> -> memref<512xi32, #tpu.memory_space<hbm>>
    %dma_start3A_3 = tpu.memref_slice %arg3[%mul3A_2] : memref<16384xi32, #tpu.memory_space<hbm>> -> memref<512xi32, #tpu.memory_space<hbm>>
    tpu.enqueue_dma source(%dma_start3A_3 : memref<512xi32, #tpu.memory_space<hbm>>) target(%arg12 : memref<512xi32, #tpu.memory_space<vmem>>) target_semaphore(%arg19 : memref<!tpu.dma_semaphore, #tpu.memory_space<semaphore_mem>>)
    %dma_start3A_4 = tpu.memref_slice %arg4[%mul3A_2] : memref<16384xi32, #tpu.memory_space<hbm>> -> memref<512xi32, #tpu.memory_space<hbm>>
    %dma_start3A_5 = tpu.memref_slice %arg4[%mul3A_2] : memref<16384xi32, #tpu.memory_space<hbm>> -> memref<512xi32, #tpu.memory_space<hbm>>
    tpu.enqueue_dma source(%dma_start3A_5 : memref<512xi32, #tpu.memory_space<hbm>>) target(%arg13 : memref<512xi32, #tpu.memory_space<vmem>>) target_semaphore(%arg19 : memref<!tpu.dma_semaphore, #tpu.memory_space<semaphore_mem>>)
    %dma_start3A_6 = tpu.memref_slice %arg5[%mul3A_2] : memref<16384xi32, #tpu.memory_space<hbm>> -> memref<512xi32, #tpu.memory_space<hbm>>
    %dma_start3A_7 = tpu.memref_slice %arg5[%mul3A_2] : memref<16384xi32, #tpu.memory_space<hbm>> -> memref<512xi32, #tpu.memory_space<hbm>>
    tpu.enqueue_dma source(%dma_start3A_7 : memref<512xi32, #tpu.memory_space<hbm>>) target(%arg14 : memref<512xi32, #tpu.memory_space<vmem>>) target_semaphore(%arg19 : memref<!tpu.dma_semaphore, #tpu.memory_space<semaphore_mem>>)
    %add3A_8 = arith.constant 0 : i32
    %add3A_9 = arith.addi %mul3A_2, %add3A_8 : i32
    %dma_start3A_10 = arith.constant 0 : i32
    %dma_start3A_11 = arith.constant 0 : i32
    %dma_start3A_12 = tpu.memref_slice %arg10[%dma_start3A_10, %dma_start3A_11] : memref<4x128xi32, #tpu.memory_space<vmem>> -> memref<1x128xi32, #tpu.memory_space<vmem>>
    %dma_start3A_13 = tpu.memref_squeeze %dma_start3A_12 : memref<1x128xi32, #tpu.memory_space<vmem>> -> memref<128xi32, #tpu.memory_space<vmem>>
    %dma_start3A_14 = tpu.memref_slice %arg2[%add3A_9] : memref<16384xi32, #tpu.memory_space<hbm>> -> memref<128xi32, #tpu.memory_space<hbm>>
    %dma_start3A_15 = arith.constant 0 : i32
    %dma_start3A_16 = tpu.memref_slice %arg10[%dma_start3A_10, %dma_start3A_15] : memref<4x128xi32, #tpu.memory_space<vmem>> -> memref<1x128xi32, #tpu.memory_space<vmem>>
    %dma_start3A_17 = tpu.memref_squeeze %dma_start3A_16 : memref<1x128xi32, #tpu.memory_space<vmem>> -> memref<128xi32, #tpu.memory_space<vmem>>
    %dma_start3A_18 = tpu.memref_slice %arg2[%add3A_9] : memref<16384xi32, #tpu.memory_space<hbm>> -> memref<128xi32, #tpu.memory_space<hbm>>
    tpu.enqueue_dma source(%dma_start3A_18 : memref<128xi32, #tpu.memory_space<hbm>>) target(%dma_start3A_17 : memref<128xi32, #tpu.memory_space<vmem>>) target_semaphore(%arg19 : memref<!tpu.dma_semaphore, #tpu.memory_space<semaphore_mem>>)
    %add3A_19 = arith.constant 128 : i32
    %add3A_20 = arith.addi %mul3A_2, %add3A_19 : i32
    %dma_start3A_21 = arith.constant 1 : i32
    %dma_start3A_22 = arith.constant 0 : i32
    %dma_start3A_23 = tpu.memref_slice %arg10[%dma_start3A_21, %dma_start3A_22] : memref<4x128xi32, #tpu.memory_space<vmem>> -> memref<1x128xi32, #tpu.memory_space<vmem>>
    %dma_start3A_24 = tpu.memref_squeeze %dma_start3A_23 : memref<1x128xi32, #tpu.memory_space<vmem>> -> memref<128xi32, #tpu.memory_space<vmem>>
    %dma_start3A_25 = tpu.memref_slice %arg2[%add3A_20] : memref<16384xi32, #tpu.memory_space<hbm>> -> memref<128xi32, #tpu.memory_space<hbm>>
    %dma_start3A_26 = arith.constant 0 : i32
    %dma_start3A_27 = tpu.memref_slice %arg10[%dma_start3A_21, %dma_start3A_26] : memref<4x128xi32, #tpu.memory_space<vmem>> -> memref<1x128xi32, #tpu.memory_space<vmem>>
    %dma_start3A_28 = tpu.memref_squeeze %dma_start3A_27 : memref<1x128xi32, #tpu.memory_space<vmem>> -> memref<128xi32, #tpu.memory_space<vmem>>
    %dma_start3A_29 = tpu.memref_slice %arg2[%add3A_20] : memref<16384xi32, #tpu.memory_space<hbm>> -> memref<128xi32, #tpu.memory_space<hbm>>
    tpu.enqueue_dma source(%dma_start3A_29 : memref<128xi32, #tpu.memory_space<hbm>>) target(%dma_start3A_28 : memref<128xi32, #tpu.memory_space<vmem>>) target_semaphore(%arg19 : memref<!tpu.dma_semaphore, #tpu.memory_space<semaphore_mem>>)
    %add3A_30 = arith.constant 256 : i32
    %add3A_31 = arith.addi %mul3A_2, %add3A_30 : i32
    %dma_start3A_32 = arith.constant 2 : i32
    %dma_start3A_33 = arith.constant 0 : i32
    %dma_start3A_34 = tpu.memref_slice %arg10[%dma_start3A_32, %dma_start3A_33] : memref<4x128xi32, #tpu.memory_space<vmem>> -> memref<1x128xi32, #tpu.memory_space<vmem>>
    %dma_start3A_35 = tpu.memref_squeeze %dma_start3A_34 : memref<1x128xi32, #tpu.memory_space<vmem>> -> memref<128xi32, #tpu.memory_space<vmem>>
    %dma_start3A_36 = tpu.memref_slice %arg2[%add3A_31] : memref<16384xi32, #tpu.memory_space<hbm>> -> memref<128xi32, #tpu.memory_space<hbm>>
    %dma_start3A_37 = arith.constant 0 : i32
    %dma_start3A_38 = tpu.memref_slice %arg10[%dma_start3A_32, %dma_start3A_37] : memref<4x128xi32, #tpu.memory_space<vmem>> -> memref<1x128xi32, #tpu.memory_space<vmem>>
    %dma_start3A_39 = tpu.memref_squeeze %dma_start3A_38 : memref<1x128xi32, #tpu.memory_space<vmem>> -> memref<128xi32, #tpu.memory_space<vmem>>
    %dma_start3A_40 = tpu.memref_slice %arg2[%add3A_31] : memref<16384xi32, #tpu.memory_space<hbm>> -> memref<128xi32, #tpu.memory_space<hbm>>
    tpu.enqueue_dma source(%dma_start3A_40 : memref<128xi32, #tpu.memory_space<hbm>>) target(%dma_start3A_39 : memref<128xi32, #tpu.memory_space<vmem>>) target_semaphore(%arg19 : memref<!tpu.dma_semaphore, #tpu.memory_space<semaphore_mem>>)
    %add3A_41 = arith.constant 384 : i32
    %add3A_42 = arith.addi %mul3A_2, %add3A_41 : i32
    %dma_start3A_43 = arith.constant 3 : i32
    %dma_start3A_44 = arith.constant 0 : i32
    %dma_start3A_45 = tpu.memref_slice %arg10[%dma_start3A_43, %dma_start3A_44] : memref<4x128xi32, #tpu.memory_space<vmem>> -> memref<1x128xi32, #tpu.memory_space<vmem>>
    %dma_start3A_46 = tpu.memref_squeeze %dma_start3A_45 : memref<1x128xi32, #tpu.memory_space<vmem>> -> memref<128xi32, #tpu.memory_space<vmem>>
    %dma_start3A_47 = tpu.memref_slice %arg2[%add3A_42] : memref<16384xi32, #tpu.memory_space<hbm>> -> memref<128xi32, #tpu.memory_space<hbm>>
    %dma_start3A_48 = arith.constant 0 : i32
    %dma_start3A_49 = tpu.memref_slice %arg10[%dma_start3A_43, %dma_start3A_48] : memref<4x128xi32, #tpu.memory_space<vmem>> -> memref<1x128xi32, #tpu.memory_space<vmem>>
    %dma_start3A_50 = tpu.memref_squeeze %dma_start3A_49 : memref<1x128xi32, #tpu.memory_space<vmem>> -> memref<128xi32, #tpu.memory_space<vmem>>
    %dma_start3A_51 = tpu.memref_slice %arg2[%add3A_42] : memref<16384xi32, #tpu.memory_space<hbm>> -> memref<128xi32, #tpu.memory_space<hbm>>
    tpu.enqueue_dma source(%dma_start3A_51 : memref<128xi32, #tpu.memory_space<hbm>>) target(%dma_start3A_50 : memref<128xi32, #tpu.memory_space<vmem>>) target_semaphore(%arg19 : memref<!tpu.dma_semaphore, #tpu.memory_space<semaphore_mem>>)
    %dma_start3A_52 = arith.constant 1500 : i32
    %dma_start3A_53 = arith.constant 0 : i32
    %dma_start3A_54 = tpu.memref_slice %arg6[%dma_start3A_52, %dma_start3A_53] : memref<1548x16xf32, #tpu.memory_space<hbm>> -> memref<48x16xf32, #tpu.memory_space<hbm>>
    %dma_start3A_55 = arith.constant 1500 : i32
    %dma_start3A_56 = arith.constant 0 : i32
    %dma_start3A_57 = tpu.memref_slice %arg6[%dma_start3A_55, %dma_start3A_56] : memref<1548x16xf32, #tpu.memory_space<hbm>> -> memref<48x16xf32, #tpu.memory_space<hbm>>
    tpu.enqueue_dma source(%dma_start3A_57 : memref<48x16xf32, #tpu.memory_space<hbm>>) target(%arg15 : memref<48x16xf32, #tpu.memory_space<vmem>>) target_semaphore(%arg20 : memref<!tpu.dma_semaphore, #tpu.memory_space<semaphore_mem>>)
    %dma_wait3A = tpu.memref_slice %arg3[%mul3A_2] : memref<16384xi32, #tpu.memory_space<hbm>> -> memref<512xi32, #tpu.memory_space<hbm>>
    %dma_wait3A_58 = tpu.memref_slice %arg3[%mul3A_2] : memref<16384xi32, #tpu.memory_space<hbm>> -> memref<512xi32, #tpu.memory_space<hbm>>
    tpu.wait_dma2 semaphore(%arg19 : memref<!tpu.dma_semaphore, #tpu.memory_space<semaphore_mem>>) src(%dma_wait3A_58 : memref<512xi32, #tpu.memory_space<hbm>>) dst(%arg12 : memref<512xi32, #tpu.memory_space<vmem>>)
    %dma_wait3A_59 = tpu.memref_slice %arg4[%mul3A_2] : memref<16384xi32, #tpu.memory_space<hbm>> -> memref<512xi32, #tpu.memory_space<hbm>>
    %dma_wait3A_60 = tpu.memref_slice %arg4[%mul3A_2] : memref<16384xi32, #tpu.memory_space<hbm>> -> memref<512xi32, #tpu.memory_space<hbm>>
    tpu.wait_dma2 semaphore(%arg19 : memref<!tpu.dma_semaphore, #tpu.memory_space<semaphore_mem>>) src(%dma_wait3A_60 : memref<512xi32, #tpu.memory_space<hbm>>) dst(%arg13 : memref<512xi32, #tpu.memory_space<vmem>>)
    %dma_wait3A_61 = tpu.memref_slice %arg5[%mul3A_2] : memref<16384xi32, #tpu.memory_space<hbm>> -> memref<512xi32, #tpu.memory_space<hbm>>
    %dma_wait3A_62 = tpu.memref_slice %arg5[%mul3A_2] : memref<16384xi32, #tpu.memory_space<hbm>> -> memref<512xi32, #tpu.memory_space<hbm>>
    tpu.wait_dma2 semaphore(%arg19 : memref<!tpu.dma_semaphore, #tpu.memory_space<semaphore_mem>>) src(%dma_wait3A_62 : memref<512xi32, #tpu.memory_space<hbm>>) dst(%arg14 : memref<512xi32, #tpu.memory_space<vmem>>)
    %dma_wait3A_63 = arith.constant 0 : i32
    %dma_wait3A_64 = arith.constant 0 : i32
    %dma_wait3A_65 = tpu.memref_slice %arg10[%dma_wait3A_63, %dma_wait3A_64] : memref<4x128xi32, #tpu.memory_space<vmem>> -> memref<1x128xi32, #tpu.memory_space<vmem>>
    %dma_wait3A_66 = tpu.memref_squeeze %dma_wait3A_65 : memref<1x128xi32, #tpu.memory_space<vmem>> -> memref<128xi32, #tpu.memory_space<vmem>>
    %dma_wait3A_67 = tpu.memref_slice %arg2[%add3A_9] : memref<16384xi32, #tpu.memory_space<hbm>> -> memref<128xi32, #tpu.memory_space<hbm>>
    %dma_wait3A_68 = arith.constant 0 : i32
    %dma_wait3A_69 = tpu.memref_slice %arg10[%dma_wait3A_63, %dma_wait3A_68] : memref<4x128xi32, #tpu.memory_space<vmem>> -> memref<1x128xi32, #tpu.memory_space<vmem>>
    %dma_wait3A_70 = tpu.memref_squeeze %dma_wait3A_69 : memref<1x128xi32, #tpu.memory_space<vmem>> -> memref<128xi32, #tpu.memory_space<vmem>>
    %dma_wait3A_71 = tpu.memref_slice %arg2[%add3A_9] : memref<16384xi32, #tpu.memory_space<hbm>> -> memref<128xi32, #tpu.memory_space<hbm>>
    tpu.wait_dma2 semaphore(%arg19 : memref<!tpu.dma_semaphore, #tpu.memory_space<semaphore_mem>>) src(%dma_wait3A_71 : memref<128xi32, #tpu.memory_space<hbm>>) dst(%dma_wait3A_70 : memref<128xi32, #tpu.memory_space<vmem>>)
    %dma_wait3A_72 = arith.constant 1 : i32
    %dma_wait3A_73 = arith.constant 0 : i32
    %dma_wait3A_74 = tpu.memref_slice %arg10[%dma_wait3A_72, %dma_wait3A_73] : memref<4x128xi32, #tpu.memory_space<vmem>> -> memref<1x128xi32, #tpu.memory_space<vmem>>
    %dma_wait3A_75 = tpu.memref_squeeze %dma_wait3A_74 : memref<1x128xi32, #tpu.memory_space<vmem>> -> memref<128xi32, #tpu.memory_space<vmem>>
    %dma_wait3A_76 = tpu.memref_slice %arg2[%add3A_20] : memref<16384xi32, #tpu.memory_space<hbm>> -> memref<128xi32, #tpu.memory_space<hbm>>
    %dma_wait3A_77 = arith.constant 0 : i32
    %dma_wait3A_78 = tpu.memref_slice %arg10[%dma_wait3A_72, %dma_wait3A_77] : memref<4x128xi32, #tpu.memory_space<vmem>> -> memref<1x128xi32, #tpu.memory_space<vmem>>
    %dma_wait3A_79 = tpu.memref_squeeze %dma_wait3A_78 : memref<1x128xi32, #tpu.memory_space<vmem>> -> memref<128xi32, #tpu.memory_space<vmem>>
    %dma_wait3A_80 = tpu.memref_slice %arg2[%add3A_20] : memref<16384xi32, #tpu.memory_space<hbm>> -> memref<128xi32, #tpu.memory_space<hbm>>
    tpu.wait_dma2 semaphore(%arg19 : memref<!tpu.dma_semaphore, #tpu.memory_space<semaphore_mem>>) src(%dma_wait3A_80 : memref<128xi32, #tpu.memory_space<hbm>>) dst(%dma_wait3A_79 : memref<128xi32, #tpu.memory_space<vmem>>)
    %dma_wait3A_81 = arith.constant 2 : i32
    %dma_wait3A_82 = arith.constant 0 : i32
    %dma_wait3A_83 = tpu.memref_slice %arg10[%dma_wait3A_81, %dma_wait3A_82] : memref<4x128xi32, #tpu.memory_space<vmem>> -> memref<1x128xi32, #tpu.memory_space<vmem>>
    %dma_wait3A_84 = tpu.memref_squeeze %dma_wait3A_83 : memref<1x128xi32, #tpu.memory_space<vmem>> -> memref<128xi32, #tpu.memory_space<vmem>>
    %dma_wait3A_85 = tpu.memref_slice %arg2[%add3A_31] : memref<16384xi32, #tpu.memory_space<hbm>> -> memref<128xi32, #tpu.memory_space<hbm>>
    %dma_wait3A_86 = arith.constant 0 : i32
    %dma_wait3A_87 = tpu.memref_slice %arg10[%dma_wait3A_81, %dma_wait3A_86] : memref<4x128xi32, #tpu.memory_space<vmem>> -> memref<1x128xi32, #tpu.memory_space<vmem>>
    %dma_wait3A_88 = tpu.memref_squeeze %dma_wait3A_87 : memref<1x128xi32, #tpu.memory_space<vmem>> -> memref<128xi32, #tpu.memory_space<vmem>>
    %dma_wait3A_89 = tpu.memref_slice %arg2[%add3A_31] : memref<16384xi32, #tpu.memory_space<hbm>> -> memref<128xi32, #tpu.memory_space<hbm>>
    tpu.wait_dma2 semaphore(%arg19 : memref<!tpu.dma_semaphore, #tpu.memory_space<semaphore_mem>>) src(%dma_wait3A_89 : memref<128xi32, #tpu.memory_space<hbm>>) dst(%dma_wait3A_88 : memref<128xi32, #tpu.memory_space<vmem>>)
    %dma_wait3A_90 = arith.constant 3 : i32
    %dma_wait3A_91 = arith.constant 0 : i32
    %dma_wait3A_92 = tpu.memref_slice %arg10[%dma_wait3A_90, %dma_wait3A_91] : memref<4x128xi32, #tpu.memory_space<vmem>> -> memref<1x128xi32, #tpu.memory_space<vmem>>
    %dma_wait3A_93 = tpu.memref_squeeze %dma_wait3A_92 : memref<1x128xi32, #tpu.memory_space<vmem>> -> memref<128xi32, #tpu.memory_space<vmem>>
    %dma_wait3A_94 = tpu.memref_slice %arg2[%add3A_42] : memref<16384xi32, #tpu.memory_space<hbm>> -> memref<128xi32, #tpu.memory_space<hbm>>
    %dma_wait3A_95 = arith.constant 0 : i32
    %dma_wait3A_96 = tpu.memref_slice %arg10[%dma_wait3A_90, %dma_wait3A_95] : memref<4x128xi32, #tpu.memory_space<vmem>> -> memref<1x128xi32, #tpu.memory_space<vmem>>
    %dma_wait3A_97 = tpu.memref_squeeze %dma_wait3A_96 : memref<1x128xi32, #tpu.memory_space<vmem>> -> memref<128xi32, #tpu.memory_space<vmem>>
    %dma_wait3A_98 = tpu.memref_slice %arg2[%add3A_42] : memref<16384xi32, #tpu.memory_space<hbm>> -> memref<128xi32, #tpu.memory_space<hbm>>
    tpu.wait_dma2 semaphore(%arg19 : memref<!tpu.dma_semaphore, #tpu.memory_space<semaphore_mem>>) src(%dma_wait3A_98 : memref<128xi32, #tpu.memory_space<hbm>>) dst(%dma_wait3A_97 : memref<128xi32, #tpu.memory_space<vmem>>)
    %dma_start3A_99 = arith.constant 0 : i32
    %dma_start3A_100 = arith.constant 0 : i32
    %dma_start3A_101 = arith.constant 0 : i32
    %dma_start3A_102 = tpu.memref_slice %arg16[%dma_start3A_100, %dma_start3A_101] : memref<512x16xf32, #tpu.memory_space<vmem>> -> memref<128x16xf32, #tpu.memory_space<vmem>>
    %dma_start3A_103 = arith.constant 0 : i32
    %dma_start3A_104 = tpu.memref_slice %arg10[%dma_start3A_99, %dma_start3A_103] : memref<4x128xi32, #tpu.memory_space<vmem>> -> memref<1x128xi32, #tpu.memory_space<vmem>>
    %dma_start3A_105 = tpu.memref_squeeze %dma_start3A_104 : memref<1x128xi32, #tpu.memory_space<vmem>> -> memref<128xi32, #tpu.memory_space<vmem>>
    %dma_start3A_106 = arith.constant 0 : i32
    %dma_start3A_107 = arith.constant 0 : i32
    %dma_start3A_108 = tpu.memref_slice %arg6[%dma_start3A_106, %dma_start3A_107] : memref<1548x16xf32, #tpu.memory_space<hbm>> -> memref<1548x16xf32, #tpu.memory_space<hbm>>
    tpu.enqueue_indirect_dma source(%dma_start3A_108 : memref<1548x16xf32, #tpu.memory_space<hbm>>) target(%dma_start3A_102 : memref<128x16xf32, #tpu.memory_space<vmem>>) offsets(%dma_start3A_105 : memref<128xi32, #tpu.memory_space<vmem>>) semaphore(%arg21 : memref<!tpu.dma_semaphore, #tpu.memory_space<semaphore_mem>>)
    %dma_start3A_109 = arith.constant 1 : i32
    %dma_start3A_110 = arith.constant 128 : i32
    %dma_start3A_111 = arith.constant 0 : i32
    %dma_start3A_112 = tpu.memref_slice %arg16[%dma_start3A_110, %dma_start3A_111] : memref<512x16xf32, #tpu.memory_space<vmem>> -> memref<128x16xf32, #tpu.memory_space<vmem>>
    %dma_start3A_113 = arith.constant 0 : i32
    %dma_start3A_114 = tpu.memref_slice %arg10[%dma_start3A_109, %dma_start3A_113] : memref<4x128xi32, #tpu.memory_space<vmem>> -> memref<1x128xi32, #tpu.memory_space<vmem>>
    %dma_start3A_115 = tpu.memref_squeeze %dma_start3A_114 : memref<1x128xi32, #tpu.memory_space<vmem>> -> memref<128xi32, #tpu.memory_space<vmem>>
    %dma_start3A_116 = arith.constant 0 : i32
    %dma_start3A_117 = arith.constant 0 : i32
    %dma_start3A_118 = tpu.memref_slice %arg6[%dma_start3A_116, %dma_start3A_117] : memref<1548x16xf32, #tpu.memory_space<hbm>> -> memref<1548x16xf32, #tpu.memory_space<hbm>>
    tpu.enqueue_indirect_dma source(%dma_start3A_118 : memref<1548x16xf32, #tpu.memory_space<hbm>>) target(%dma_start3A_112 : memref<128x16xf32, #tpu.memory_space<vmem>>) offsets(%dma_start3A_115 : memref<128xi32, #tpu.memory_space<vmem>>) semaphore(%arg21 : memref<!tpu.dma_semaphore, #tpu.memory_space<semaphore_mem>>)
    %dma_start3A_119 = arith.constant 2 : i32
    %dma_start3A_120 = arith.constant 256 : i32
    %dma_start3A_121 = arith.constant 0 : i32
    %dma_start3A_122 = tpu.memref_slice %arg16[%dma_start3A_120, %dma_start3A_121] : memref<512x16xf32, #tpu.memory_space<vmem>> -> memref<128x16xf32, #tpu.memory_space<vmem>>
    %dma_start3A_123 = arith.constant 0 : i32
    %dma_start3A_124 = tpu.memref_slice %arg10[%dma_start3A_119, %dma_start3A_123] : memref<4x128xi32, #tpu.memory_space<vmem>> -> memref<1x128xi32, #tpu.memory_space<vmem>>
    %dma_start3A_125 = tpu.memref_squeeze %dma_start3A_124 : memref<1x128xi32, #tpu.memory_space<vmem>> -> memref<128xi32, #tpu.memory_space<vmem>>
    %dma_start3A_126 = arith.constant 0 : i32
    %dma_start3A_127 = arith.constant 0 : i32
    %dma_start3A_128 = tpu.memref_slice %arg6[%dma_start3A_126, %dma_start3A_127] : memref<1548x16xf32, #tpu.memory_space<hbm>> -> memref<1548x16xf32, #tpu.memory_space<hbm>>
    tpu.enqueue_indirect_dma source(%dma_start3A_128 : memref<1548x16xf32, #tpu.memory_space<hbm>>) target(%dma_start3A_122 : memref<128x16xf32, #tpu.memory_space<vmem>>) offsets(%dma_start3A_125 : memref<128xi32, #tpu.memory_space<vmem>>) semaphore(%arg21 : memref<!tpu.dma_semaphore, #tpu.memory_space<semaphore_mem>>)
    %dma_start3A_129 = arith.constant 3 : i32
    %dma_start3A_130 = arith.constant 384 : i32
    %dma_start3A_131 = arith.constant 0 : i32
    %dma_start3A_132 = tpu.memref_slice %arg16[%dma_start3A_130, %dma_start3A_131] : memref<512x16xf32, #tpu.memory_space<vmem>> -> memref<128x16xf32, #tpu.memory_space<vmem>>
    %dma_start3A_133 = arith.constant 0 : i32
    %dma_start3A_134 = tpu.memref_slice %arg10[%dma_start3A_129, %dma_start3A_133] : memref<4x128xi32, #tpu.memory_space<vmem>> -> memref<1x128xi32, #tpu.memory_space<vmem>>
    %dma_start3A_135 = tpu.memref_squeeze %dma_start3A_134 : memref<1x128xi32, #tpu.memory_space<vmem>> -> memref<128xi32, #tpu.memory_space<vmem>>
    %dma_start3A_136 = arith.constant 0 : i32
    %dma_start3A_137 = arith.constant 0 : i32
    %dma_start3A_138 = tpu.memref_slice %arg6[%dma_start3A_136, %dma_start3A_137] : memref<1548x16xf32, #tpu.memory_space<hbm>> -> memref<1548x16xf32, #tpu.memory_space<hbm>>
    tpu.enqueue_indirect_dma source(%dma_start3A_138 : memref<1548x16xf32, #tpu.memory_space<hbm>>) target(%dma_start3A_132 : memref<128x16xf32, #tpu.memory_space<vmem>>) offsets(%dma_start3A_135 : memref<128xi32, #tpu.memory_space<vmem>>) semaphore(%arg21 : memref<!tpu.dma_semaphore, #tpu.memory_space<semaphore_mem>>)
    %get3A = arith.constant 0 : index
    %get3A_139 = tpu.vector_load %arg12[%get3A] {strides = array<i32>} : memref<512xi32, #tpu.memory_space<vmem>>, vector<16xi32>,
    %add3A_140 = arith.constant 1000 : i32
    %add3A_141 = vector.broadcast %add3A_140 : i32 to vector<16xi32>
    %add3A_142 = arith.addi %get3A_139, %add3A_141 : vector<16xi32>
    %swap3A = arith.constant 0 : i32
    %swap3A_143 = arith.index_cast %swap3A : i32 to index
    %swap3A_144 = arith.constant 0 : index
    %swap3A_145 = tpu.vector_load %arg11[%swap3A_143, %swap3A_144] {strides = array<i32>} : memref<4x128xi32, #tpu.memory_space<vmem>>, vector<16xi32>,
    tpu.vector_store %arg11[%swap3A_143, %swap3A_144], %add3A_142 {strides = array<i32>} : memref<4x128xi32, #tpu.memory_space<vmem>>, vector<16xi32>,
    %get3A_146 = arith.constant 16 : index
    %get3A_147 = tpu.vector_load %arg12[%get3A_146] {strides = array<i32>} : memref<512xi32, #tpu.memory_space<vmem>>, vector<16xi32>,
    %add3A_148 = arith.constant 1000 : i32
    %add3A_149 = vector.broadcast %add3A_148 : i32 to vector<16xi32>
    %add3A_150 = arith.addi %get3A_147, %add3A_149 : vector<16xi32>
    %swap3A_151 = arith.constant 0 : i32
    %swap3A_152 = arith.index_cast %swap3A_151 : i32 to index
    %swap3A_153 = arith.constant 16 : index
    %swap3A_154 = tpu.vector_load %arg11[%swap3A_152, %swap3A_153] {strides = array<i32>} : memref<4x128xi32, #tpu.memory_space<vmem>>, vector<16xi32>,
    tpu.vector_store %arg11[%swap3A_152, %swap3A_153], %add3A_150 {strides = array<i32>} : memref<4x128xi32, #tpu.memory_space<vmem>>, vector<16xi32>,
    %get3A_155 = arith.constant 32 : index
    %get3A_156 = tpu.vector_load %arg12[%get3A_155] {strides = array<i32>} : memref<512xi32, #tpu.memory_space<vmem>>, vector<16xi32>,
    %add3A_157 = arith.constant 1000 : i32
    %add3A_158 = vector.broadcast %add3A_157 : i32 to vector<16xi32>
    %add3A_159 = arith.addi %get3A_156, %add3A_158 : vector<16xi32>
    %swap3A_160 = arith.constant 0 : i32
    %swap3A_161 = arith.index_cast %swap3A_160 : i32 to index
    %swap3A_162 = arith.constant 32 : index
    %swap3A_163 = tpu.vector_load %arg11[%swap3A_161, %swap3A_162] {strides = array<i32>} : memref<4x128xi32, #tpu.memory_space<vmem>>, vector<16xi32>,
    tpu.vector_store %arg11[%swap3A_161, %swap3A_162], %add3A_159 {strides = array<i32>} : memref<4x128xi32, #tpu.memory_space<vmem>>, vector<16xi32>,
    %get3A_164 = arith.constant 48 : index
    %get3A_165 = tpu.vector_load %arg12[%get3A_164] {strides = array<i32>} : memref<512xi32, #tpu.memory_space<vmem>>, vector<16xi32>,
    %add3A_166 = arith.constant 1000 : i32
    %add3A_167 = vector.broadcast %add3A_166 : i32 to vector<16xi32>
    %add3A_168 = arith.addi %get3A_165, %add3A_167 : vector<16xi32>
    %swap3A_169 = arith.constant 0 : i32
    %swap3A_170 = arith.index_cast %swap3A_169 : i32 to index
    %swap3A_171 = arith.constant 48 : index
    %swap3A_172 = tpu.vector_load %arg11[%swap3A_170, %swap3A_171] {strides = array<i32>} : memref<4x128xi32, #tpu.memory_space<vmem>>, vector<16xi32>,
    tpu.vector_store %arg11[%swap3A_170, %swap3A_171], %add3A_168 {strides = array<i32>} : memref<4x128xi32, #tpu.memory_space<vmem>>, vector<16xi32>,
    %get3A_173 = arith.constant 64 : index
    %get3A_174 = tpu.vector_load %arg12[%get3A_173] {strides = array<i32>} : memref<512xi32, #tpu.memory_space<vmem>>, vector<16xi32>,
    %add3A_175 = arith.constant 1000 : i32
    %add3A_176 = vector.broadcast %add3A_175 : i32 to vector<16xi32>
    %add3A_177 = arith.addi %get3A_174, %add3A_176 : vector<16xi32>
    %swap3A_178 = arith.constant 0 : i32
    %swap3A_179 = arith.index_cast %swap3A_178 : i32 to index
    %swap3A_180 = arith.constant 64 : index
    %swap3A_181 = tpu.vector_load %arg11[%swap3A_179, %swap3A_180] {strides = array<i32>} : memref<4x128xi32, #tpu.memory_space<vmem>>, vector<16xi32>,
    tpu.vector_store %arg11[%swap3A_179, %swap3A_180], %add3A_177 {strides = array<i32>} : memref<4x128xi32, #tpu.memory_space<vmem>>, vector<16xi32>,
    %get3A_182 = arith.constant 80 : index
    %get3A_183 = tpu.vector_load %arg12[%get3A_182] {strides = array<i32>} : memref<512xi32, #tpu.memory_space<vmem>>, vector<16xi32>,
    %add3A_184 = arith.constant 1000 : i32
    %add3A_185 = vector.broadcast %add3A_184 : i32 to vector<16xi32>
    %add3A_186 = arith.addi %get3A_183, %add3A_185 : vector<16xi32>
    %swap3A_187 = arith.constant 0 : i32
    %swap3A_188 = arith.index_cast %swap3A_187 : i32 to index
    %swap3A_189 = arith.constant 80 : index
    %swap3A_190 = tpu.vector_load %arg11[%swap3A_188, %swap3A_189] {strides = array<i32>} : memref<4x128xi32, #tpu.memory_space<vmem>>, vector<16xi32>,
    tpu.vector_store %arg11[%swap3A_188, %swap3A_189], %add3A_186 {strides = array<i32>} : memref<4x128xi32, #tpu.memory_space<vmem>>, vector<16xi32>,
    %get3A_191 = arith.constant 96 : index
    %get3A_192 = tpu.vector_load %arg12[%get3A_191] {strides = array<i32>} : memref<512xi32, #tpu.memory_space<vmem>>, vector<16xi32>,
    %add3A_193 = arith.constant 1000 : i32
    %add3A_194 = vector.broadcast %add3A_193 : i32 to vector<16xi32>
    %add3A_195 = arith.addi %get3A_192, %add3A_194 : vector<16xi32>
    %swap3A_196 = arith.constant 0 : i32
    %swap3A_197 = arith.index_cast %swap3A_196 : i32 to index
    %swap3A_198 = arith.constant 96 : index
    %swap3A_199 = tpu.vector_load %arg11[%swap3A_197, %swap3A_198] {strides = array<i32>} : memref<4x128xi32, #tpu.memory_space<vmem>>, vector<16xi32>,
    tpu.vector_store %arg11[%swap3A_197, %swap3A_198], %add3A_195 {strides = array<i32>} : memref<4x128xi32, #tpu.memory_space<vmem>>, vector<16xi32>,
    %get3A_200 = arith.constant 112 : index
    %get3A_201 = tpu.vector_load %arg12[%get3A_200] {strides = array<i32>} : memref<512xi32, #tpu.memory_space<vmem>>, vector<16xi32>,
    %add3A_202 = arith.constant 1000 : i32
    %add3A_203 = vector.broadcast %add3A_202 : i32 to vector<16xi32>
    %add3A_204 = arith.addi %get3A_201, %add3A_203 : vector<16xi32>
    %swap3A_205 = arith.constant 0 : i32
    %swap3A_206 = arith.index_cast %swap3A_205 : i32 to index
    %swap3A_207 = arith.constant 112 : index
    %swap3A_208 = tpu.vector_load %arg11[%swap3A_206, %swap3A_207] {strides = array<i32>} : memref<4x128xi32, #tpu.memory_space<vmem>>, vector<16xi32>,
    tpu.vector_store %arg11[%swap3A_206, %swap3A_207], %add3A_204 {strides = array<i32>} : memref<4x128xi32, #tpu.memory_space<vmem>>, vector<16xi32>,
    %get3A_209 = arith.constant 128 : index
    %get3A_210 = tpu.vector_load %arg12[%get3A_209] {strides = array<i32>} : memref<512xi32, #tpu.memory_space<vmem>>, vector<16xi32>,
    %add3A_211 = arith.constant 1000 : i32
    %add3A_212 = vector.broadcast %add3A_211 : i32 to vector<16xi32>
    %add3A_213 = arith.addi %get3A_210, %add3A_212 : vector<16xi32>
    %swap3A_214 = arith.constant 1 : i32
    %swap3A_215 = arith.index_cast %swap3A_214 : i32 to index
    %swap3A_216 = arith.constant 0 : index
    %swap3A_217 = tpu.vector_load %arg11[%swap3A_215, %swap3A_216] {strides = array<i32>} : memref<4x128xi32, #tpu.memory_space<vmem>>, vector<16xi32>,
    tpu.vector_store %arg11[%swap3A_215, %swap3A_216], %add3A_213 {strides = array<i32>} : memref<4x128xi32, #tpu.memory_space<vmem>>, vector<16xi32>,
    %get3A_218 = arith.constant 144 : index
    %get3A_219 = tpu.vector_load %arg12[%get3A_218] {strides = array<i32>} : memref<512xi32, #tpu.memory_space<vmem>>, vector<16xi32>,
    %add3A_220 = arith.constant 1000 : i32
    %add3A_221 = vector.broadcast %add3A_220 : i32 to vector<16xi32>
    %add3A_222 = arith.addi %get3A_219, %add3A_221 : vector<16xi32>
    %swap3A_223 = arith.constant 1 : i32
    %swap3A_224 = arith.index_cast %swap3A_223 : i32 to index
    %swap3A_225 = arith.constant 16 : index
    %swap3A_226 = tpu.vector_load %arg11[%swap3A_224, %swap3A_225] {strides = array<i32>} : memref<4x128xi32, #tpu.memory_space<vmem>>, vector<16xi32>,
    tpu.vector_store %arg11[%swap3A_224, %swap3A_225], %add3A_222 {strides = array<i32>} : memref<4x128xi32, #tpu.memory_space<vmem>>, vector<16xi32>,
    %get3A_227 = arith.constant 160 : index
    %get3A_228 = tpu.vector_load %arg12[%get3A_227] {strides = array<i32>} : memref<512xi32, #tpu.memory_space<vmem>>, vector<16xi32>,
    %add3A_229 = arith.constant 1000 : i32
    %add3A_230 = vector.broadcast %add3A_229 : i32 to vector<16xi32>
    %add3A_231 = arith.addi %get3A_228, %add3A_230 : vector<16xi32>
    %swap3A_232 = arith.constant 1 : i32
    %swap3A_233 = arith.index_cast %swap3A_232 : i32 to index
    %swap3A_234 = arith.constant 32 : index
    %swap3A_235 = tpu.vector_load %arg11[%swap3A_233, %swap3A_234] {strides = array<i32>} : memref<4x128xi32, #tpu.memory_space<vmem>>, vector<16xi32>,
    tpu.vector_store %arg11[%swap3A_233, %swap3A_234], %add3A_231 {strides = array<i32>} : memref<4x128xi32, #tpu.memory_space<vmem>>, vector<16xi32>,
    %get3A_236 = arith.constant 176 : index
    %get3A_237 = tpu.vector_load %arg12[%get3A_236] {strides = array<i32>} : memref<512xi32, #tpu.memory_space<vmem>>, vector<16xi32>,
    %add3A_238 = arith.constant 1000 : i32
    %add3A_239 = vector.broadcast %add3A_238 : i32 to vector<16xi32>
    %add3A_240 = arith.addi %get3A_237, %add3A_239 : vector<16xi32>
    %swap3A_241 = arith.constant 1 : i32
    %swap3A_242 = arith.index_cast %swap3A_241 : i32 to index
    %swap3A_243 = arith.constant 48 : index
    %swap3A_244 = tpu.vector_load %arg11[%swap3A_242, %swap3A_243] {strides = array<i32>} : memref<4x128xi32, #tpu.memory_space<vmem>>, vector<16xi32>,
    tpu.vector_store %arg11[%swap3A_242, %swap3A_243], %add3A_240 {strides = array<i32>} : memref<4x128xi32, #tpu.memory_space<vmem>>, vector<16xi32>,
    %get3A_245 = arith.constant 192 : index
    %get3A_246 = tpu.vector_load %arg12[%get3A_245] {strides = array<i32>} : memref<512xi32, #tpu.memory_space<vmem>>, vector<16xi32>,
    %add3A_247 = arith.constant 1000 : i32
    %add3A_248 = vector.broadcast %add3A_247 : i32 to vector<16xi32>
    %add3A_249 = arith.addi %get3A_246, %add3A_248 : vector<16xi32>
    %swap3A_250 = arith.constant 1 : i32
    %swap3A_251 = arith.index_cast %swap3A_250 : i32 to index
    %swap3A_252 = arith.constant 64 : index
    %swap3A_253 = tpu.vector_load %arg11[%swap3A_251, %swap3A_252] {strides = array<i32>} : memref<4x128xi32, #tpu.memory_space<vmem>>, vector<16xi32>,
    tpu.vector_store %arg11[%swap3A_251, %swap3A_252], %add3A_249 {strides = array<i32>} : memref<4x128xi32, #tpu.memory_space<vmem>>, vector<16xi32>,
    %get3A_254 = arith.constant 208 : index
    %get3A_255 = tpu.vector_load %arg12[%get3A_254] {strides = array<i32>} : memref<512xi32, #tpu.memory_space<vmem>>, vector<16xi32>,
    %add3A_256 = arith.constant 1000 : i32
    %add3A_257 = vector.broadcast %add3A_256 : i32 to vector<16xi32>
    %add3A_258 = arith.addi %get3A_255, %add3A_257 : vector<16xi32>
    %swap3A_259 = arith.constant 1 : i32
    %swap3A_260 = arith.index_cast %swap3A_259 : i32 to index
    %swap3A_261 = arith.constant 80 : index
    %swap3A_262 = tpu.vector_load %arg11[%swap3A_260, %swap3A_261] {strides = array<i32>} : memref<4x128xi32, #tpu.memory_space<vmem>>, vector<16xi32>,
    tpu.vector_store %arg11[%swap3A_260, %swap3A_261], %add3A_258 {strides = array<i32>} : memref<4x128xi32, #tpu.memory_space<vmem>>, vector<16xi32>,
    %get3A_263 = arith.constant 224 : index
    %get3A_264 = tpu.vector_load %arg12[%get3A_263] {strides = array<i32>} : memref<512xi32, #tpu.memory_space<vmem>>, vector<16xi32>,
    %add3A_265 = arith.constant 1000 : i32
    %add3A_266 = vector.broadcast %add3A_265 : i32 to vector<16xi32>
    %add3A_267 = arith.addi %get3A_264, %add3A_266 : vector<16xi32>
    %swap3A_268 = arith.constant 1 : i32
    %swap3A_269 = arith.index_cast %swap3A_268 : i32 to index
    %swap3A_270 = arith.constant 96 : index
    %swap3A_271 = tpu.vector_load %arg11[%swap3A_269, %swap3A_270] {strides = array<i32>} : memref<4x128xi32, #tpu.memory_space<vmem>>, vector<16xi32>,
    tpu.vector_store %arg11[%swap3A_269, %swap3A_270], %add3A_267 {strides = array<i32>} : memref<4x128xi32, #tpu.memory_space<vmem>>, vector<16xi32>,
    %get3A_272 = arith.constant 240 : index
    %get3A_273 = tpu.vector_load %arg12[%get3A_272] {strides = array<i32>} : memref<512xi32, #tpu.memory_space<vmem>>, vector<16xi32>,
    %add3A_274 = arith.constant 1000 : i32
    %add3A_275 = vector.broadcast %add3A_274 : i32 to vector<16xi32>
    %add3A_276 = arith.addi %get3A_273, %add3A_275 : vector<16xi32>
    %swap3A_277 = arith.constant 1 : i32
    %swap3A_278 = arith.index_cast %swap3A_277 : i32 to index
    %swap3A_279 = arith.constant 112 : index
    %swap3A_280 = tpu.vector_load %arg11[%swap3A_278, %swap3A_279] {strides = array<i32>} : memref<4x128xi32, #tpu.memory_space<vmem>>, vector<16xi32>,
    tpu.vector_store %arg11[%swap3A_278, %swap3A_279], %add3A_276 {strides = array<i32>} : memref<4x128xi32, #tpu.memory_space<vmem>>, vector<16xi32>,
    %get3A_281 = arith.constant 256 : index
    %get3A_282 = tpu.vector_load %arg12[%get3A_281] {strides = array<i32>} : memref<512xi32, #tpu.memory_space<vmem>>, vector<16xi32>,
    %add3A_283 = arith.constant 1000 : i32
    %add3A_284 = vector.broadcast %add3A_283 : i32 to vector<16xi32>
    %add3A_285 = arith.addi %get3A_282, %add3A_284 : vector<16xi32>
    %swap3A_286 = arith.constant 2 : i32
    %swap3A_287 = arith.index_cast %swap3A_286 : i32 to index
    %swap3A_288 = arith.constant 0 : index
    %swap3A_289 = tpu.vector_load %arg11[%swap3A_287, %swap3A_288] {strides = array<i32>} : memref<4x128xi32, #tpu.memory_space<vmem>>, vector<16xi32>,
    tpu.vector_store %arg11[%swap3A_287, %swap3A_288], %add3A_285 {strides = array<i32>} : memref<4x128xi32, #tpu.memory_space<vmem>>, vector<16xi32>,
    %get3A_290 = arith.constant 272 : index
    %get3A_291 = tpu.vector_load %arg12[%get3A_290] {strides = array<i32>} : memref<512xi32, #tpu.memory_space<vmem>>, vector<16xi32>,
    %add3A_292 = arith.constant 1000 : i32
    %add3A_293 = vector.broadcast %add3A_292 : i32 to vector<16xi32>
    %add3A_294 = arith.addi %get3A_291, %add3A_293 : vector<16xi32>
    %swap3A_295 = arith.constant 2 : i32
    %swap3A_296 = arith.index_cast %swap3A_295 : i32 to index
    %swap3A_297 = arith.constant 16 : index
    %swap3A_298 = tpu.vector_load %arg11[%swap3A_296, %swap3A_297] {strides = array<i32>} : memref<4x128xi32, #tpu.memory_space<vmem>>, vector<16xi32>,
    tpu.vector_store %arg11[%swap3A_296, %swap3A_297], %add3A_294 {strides = array<i32>} : memref<4x128xi32, #tpu.memory_space<vmem>>, vector<16xi32>,
    %get3A_299 = arith.constant 288 : index
    %get3A_300 = tpu.vector_load %arg12[%get3A_299] {strides = array<i32>} : memref<512xi32, #tpu.memory_space<vmem>>, vector<16xi32>,
    %add3A_301 = arith.constant 1000 : i32
    %add3A_302 = vector.broadcast %add3A_301 : i32 to vector<16xi32>
    %add3A_303 = arith.addi %get3A_300, %add3A_302 : vector<16xi32>
    %swap3A_304 = arith.constant 2 : i32
    %swap3A_305 = arith.index_cast %swap3A_304 : i32 to index
    %swap3A_306 = arith.constant 32 : index
    %swap3A_307 = tpu.vector_load %arg11[%swap3A_305, %swap3A_306] {strides = array<i32>} : memref<4x128xi32, #tpu.memory_space<vmem>>, vector<16xi32>,
    tpu.vector_store %arg11[%swap3A_305, %swap3A_306], %add3A_303 {strides = array<i32>} : memref<4x128xi32, #tpu.memory_space<vmem>>, vector<16xi32>,
    %get3A_308 = arith.constant 304 : index
    %get3A_309 = tpu.vector_load %arg12[%get3A_308] {strides = array<i32>} : memref<512xi32, #tpu.memory_space<vmem>>, vector<16xi32>,
    %add3A_310 = arith.constant 1000 : i32
    %add3A_311 = vector.broadcast %add3A_310 : i32 to vector<16xi32>
    %add3A_312 = arith.addi %get3A_309, %add3A_311 : vector<16xi32>
    %swap3A_313 = arith.constant 2 : i32
    %swap3A_314 = arith.index_cast %swap3A_313 : i32 to index
    %swap3A_315 = arith.constant 48 : index
    %swap3A_316 = tpu.vector_load %arg11[%swap3A_314, %swap3A_315] {strides = array<i32>} : memref<4x128xi32, #tpu.memory_space<vmem>>, vector<16xi32>,
    tpu.vector_store %arg11[%swap3A_314, %swap3A_315], %add3A_312 {strides = array<i32>} : memref<4x128xi32, #tpu.memory_space<vmem>>, vector<16xi32>,
    %get3A_317 = arith.constant 320 : index
    %get3A_318 = tpu.vector_load %arg12[%get3A_317] {strides = array<i32>} : memref<512xi32, #tpu.memory_space<vmem>>, vector<16xi32>,
    %add3A_319 = arith.constant 1000 : i32
    %add3A_320 = vector.broadcast %add3A_319 : i32 to vector<16xi32>
    %add3A_321 = arith.addi %get3A_318, %add3A_320 : vector<16xi32>
    %swap3A_322 = arith.constant 2 : i32
    %swap3A_323 = arith.index_cast %swap3A_322 : i32 to index
    %swap3A_324 = arith.constant 64 : index
    %swap3A_325 = tpu.vector_load %arg11[%swap3A_323, %swap3A_324] {strides = array<i32>} : memref<4x128xi32, #tpu.memory_space<vmem>>, vector<16xi32>,
    tpu.vector_store %arg11[%swap3A_323, %swap3A_324], %add3A_321 {strides = array<i32>} : memref<4x128xi32, #tpu.memory_space<vmem>>, vector<16xi32>,
    %get3A_326 = arith.constant 336 : index
    %get3A_327 = tpu.vector_load %arg12[%get3A_326] {strides = array<i32>} : memref<512xi32, #tpu.memory_space<vmem>>, vector<16xi32>,
    %add3A_328 = arith.constant 1000 : i32
    %add3A_329 = vector.broadcast %add3A_328 : i32 to vector<16xi32>
    %add3A_330 = arith.addi %get3A_327, %add3A_329 : vector<16xi32>
    %swap3A_331 = arith.constant 2 : i32
    %swap3A_332 = arith.index_cast %swap3A_331 : i32 to index
    %swap3A_333 = arith.constant 80 : index
    %swap3A_334 = tpu.vector_load %arg11[%swap3A_332, %swap3A_333] {strides = array<i32>} : memref<4x128xi32, #tpu.memory_space<vmem>>, vector<16xi32>,
    tpu.vector_store %arg11[%swap3A_332, %swap3A_333], %add3A_330 {strides = array<i32>} : memref<4x128xi32, #tpu.memory_space<vmem>>, vector<16xi32>,
    %get3A_335 = arith.constant 352 : index
    %get3A_336 = tpu.vector_load %arg12[%get3A_335] {strides = array<i32>} : memref<512xi32, #tpu.memory_space<vmem>>, vector<16xi32>,
    %add3A_337 = arith.constant 1000 : i32
    %add3A_338 = vector.broadcast %add3A_337 : i32 to vector<16xi32>
    %add3A_339 = arith.addi %get3A_336, %add3A_338 : vector<16xi32>
    %swap3A_340 = arith.constant 2 : i32
    %swap3A_341 = arith.index_cast %swap3A_340 : i32 to index
    %swap3A_342 = arith.constant 96 : index
    %swap3A_343 = tpu.vector_load %arg11[%swap3A_341, %swap3A_342] {strides = array<i32>} : memref<4x128xi32, #tpu.memory_space<vmem>>, vector<16xi32>,
    tpu.vector_store %arg11[%swap3A_341, %swap3A_342], %add3A_339 {strides = array<i32>} : memref<4x128xi32, #tpu.memory_space<vmem>>, vector<16xi32>,
    %get3A_344 = arith.constant 368 : index
    %get3A_345 = tpu.vector_load %arg12[%get3A_344] {strides = array<i32>} : memref<512xi32, #tpu.memory_space<vmem>>, vector<16xi32>,
    %add3A_346 = arith.constant 1000 : i32
    %add3A_347 = vector.broadcast %add3A_346 : i32 to vector<16xi32>
    %add3A_348 = arith.addi %get3A_345, %add3A_347 : vector<16xi32>
    %swap3A_349 = arith.constant 2 : i32
    %swap3A_350 = arith.index_cast %swap3A_349 : i32 to index
    %swap3A_351 = arith.constant 112 : index
    %swap3A_352 = tpu.vector_load %arg11[%swap3A_350, %swap3A_351] {strides = array<i32>} : memref<4x128xi32, #tpu.memory_space<vmem>>, vector<16xi32>,
    tpu.vector_store %arg11[%swap3A_350, %swap3A_351], %add3A_348 {strides = array<i32>} : memref<4x128xi32, #tpu.memory_space<vmem>>, vector<16xi32>,
    %get3A_353 = arith.constant 384 : index
    %get3A_354 = tpu.vector_load %arg12[%get3A_353] {strides = array<i32>} : memref<512xi32, #tpu.memory_space<vmem>>, vector<16xi32>,
    %add3A_355 = arith.constant 1000 : i32
    %add3A_356 = vector.broadcast %add3A_355 : i32 to vector<16xi32>
    %add3A_357 = arith.addi %get3A_354, %add3A_356 : vector<16xi32>
    %swap3A_358 = arith.constant 3 : i32
    %swap3A_359 = arith.index_cast %swap3A_358 : i32 to index
    %swap3A_360 = arith.constant 0 : index
    %swap3A_361 = tpu.vector_load %arg11[%swap3A_359, %swap3A_360] {strides = array<i32>} : memref<4x128xi32, #tpu.memory_space<vmem>>, vector<16xi32>,
    tpu.vector_store %arg11[%swap3A_359, %swap3A_360], %add3A_357 {strides = array<i32>} : memref<4x128xi32, #tpu.memory_space<vmem>>, vector<16xi32>,
    %get3A_362 = arith.constant 400 : index
    %get3A_363 = tpu.vector_load %arg12[%get3A_362] {strides = array<i32>} : memref<512xi32, #tpu.memory_space<vmem>>, vector<16xi32>,
    %add3A_364 = arith.constant 1000 : i32
    %add3A_365 = vector.broadcast %add3A_364 : i32 to vector<16xi32>
    %add3A_366 = arith.addi %get3A_363, %add3A_365 : vector<16xi32>
    %swap3A_367 = arith.constant 3 : i32
    %swap3A_368 = arith.index_cast %swap3A_367 : i32 to index
    %swap3A_369 = arith.constant 16 : index
    %swap3A_370 = tpu.vector_load %arg11[%swap3A_368, %swap3A_369] {strides = array<i32>} : memref<4x128xi32, #tpu.memory_space<vmem>>, vector<16xi32>,
    tpu.vector_store %arg11[%swap3A_368, %swap3A_369], %add3A_366 {strides = array<i32>} : memref<4x128xi32, #tpu.memory_space<vmem>>, vector<16xi32>,
    %get3A_371 = arith.constant 416 : index
    %get3A_372 = tpu.vector_load %arg12[%get3A_371] {strides = array<i32>} : memref<512xi32, #tpu.memory_space<vmem>>, vector<16xi32>,
    %add3A_373 = arith.constant 1000 : i32
    %add3A_374 = vector.broadcast %add3A_373 : i32 to vector<16xi32>
    %add3A_375 = arith.addi %get3A_372, %add3A_374 : vector<16xi32>
    %swap3A_376 = arith.constant 3 : i32
    %swap3A_377 = arith.index_cast %swap3A_376 : i32 to index
    %swap3A_378 = arith.constant 32 : index
    %swap3A_379 = tpu.vector_load %arg11[%swap3A_377, %swap3A_378] {strides = array<i32>} : memref<4x128xi32, #tpu.memory_space<vmem>>, vector<16xi32>,
    tpu.vector_store %arg11[%swap3A_377, %swap3A_378], %add3A_375 {strides = array<i32>} : memref<4x128xi32, #tpu.memory_space<vmem>>, vector<16xi32>,
    %get3A_380 = arith.constant 432 : index
    %get3A_381 = tpu.vector_load %arg12[%get3A_380] {strides = array<i32>} : memref<512xi32, #tpu.memory_space<vmem>>, vector<16xi32>,
    %add3A_382 = arith.constant 1000 : i32
    %add3A_383 = vector.broadcast %add3A_382 : i32 to vector<16xi32>
    %add3A_384 = arith.addi %get3A_381, %add3A_383 : vector<16xi32>
    %swap3A_385 = arith.constant 3 : i32
    %swap3A_386 = arith.index_cast %swap3A_385 : i32 to index
    %swap3A_387 = arith.constant 48 : index
    %swap3A_388 = tpu.vector_load %arg11[%swap3A_386, %swap3A_387] {strides = array<i32>} : memref<4x128xi32, #tpu.memory_space<vmem>>, vector<16xi32>,
    tpu.vector_store %arg11[%swap3A_386, %swap3A_387], %add3A_384 {strides = array<i32>} : memref<4x128xi32, #tpu.memory_space<vmem>>, vector<16xi32>,
    %get3A_389 = arith.constant 448 : index
    %get3A_390 = tpu.vector_load %arg12[%get3A_389] {strides = array<i32>} : memref<512xi32, #tpu.memory_space<vmem>>, vector<16xi32>,
    %add3A_391 = arith.constant 1000 : i32
    %add3A_392 = vector.broadcast %add3A_391 : i32 to vector<16xi32>
    %add3A_393 = arith.addi %get3A_390, %add3A_392 : vector<16xi32>
    %swap3A_394 = arith.constant 3 : i32
    %swap3A_395 = arith.index_cast %swap3A_394 : i32 to index
    %swap3A_396 = arith.constant 64 : index
    %swap3A_397 = tpu.vector_load %arg11[%swap3A_395, %swap3A_396] {strides = array<i32>} : memref<4x128xi32, #tpu.memory_space<vmem>>, vector<16xi32>,
    tpu.vector_store %arg11[%swap3A_395, %swap3A_396], %add3A_393 {strides = array<i32>} : memref<4x128xi32, #tpu.memory_space<vmem>>, vector<16xi32>,
    %get3A_398 = arith.constant 464 : index
    %get3A_399 = tpu.vector_load %arg12[%get3A_398] {strides = array<i32>} : memref<512xi32, #tpu.memory_space<vmem>>, vector<16xi32>,
    %add3A_400 = arith.constant 1000 : i32
    %add3A_401 = vector.broadcast %add3A_400 : i32 to vector<16xi32>
    %add3A_402 = arith.addi %get3A_399, %add3A_401 : vector<16xi32>
    %swap3A_403 = arith.constant 3 : i32
    %swap3A_404 = arith.index_cast %swap3A_403 : i32 to index
    %swap3A_405 = arith.constant 80 : index
    %swap3A_406 = tpu.vector_load %arg11[%swap3A_404, %swap3A_405] {strides = array<i32>} : memref<4x128xi32, #tpu.memory_space<vmem>>, vector<16xi32>,
    tpu.vector_store %arg11[%swap3A_404, %swap3A_405], %add3A_402 {strides = array<i32>} : memref<4x128xi32, #tpu.memory_space<vmem>>, vector<16xi32>,
    %get3A_407 = arith.constant 480 : index
    %get3A_408 = tpu.vector_load %arg12[%get3A_407] {strides = array<i32>} : memref<512xi32, #tpu.memory_space<vmem>>, vector<16xi32>,
    %add3A_409 = arith.constant 1000 : i32
    %add3A_410 = vector.broadcast %add3A_409 : i32 to vector<16xi32>
    %add3A_411 = arith.addi %get3A_408, %add3A_410 : vector<16xi32>
    %swap3A_412 = arith.constant 3 : i32
    %swap3A_413 = arith.index_cast %swap3A_412 : i32 to index
    %swap3A_414 = arith.constant 96 : index
    %swap3A_415 = tpu.vector_load %arg11[%swap3A_413, %swap3A_414] {strides = array<i32>} : memref<4x128xi32, #tpu.memory_space<vmem>>, vector<16xi32>,
    tpu.vector_store %arg11[%swap3A_413, %swap3A_414], %add3A_411 {strides = array<i32>} : memref<4x128xi32, #tpu.memory_space<vmem>>, vector<16xi32>,
    %get3A_416 = arith.constant 496 : index
    %get3A_417 = tpu.vector_load %arg12[%get3A_416] {strides = array<i32>} : memref<512xi32, #tpu.memory_space<vmem>>, vector<16xi32>,
    %add3A_418 = arith.constant 1000 : i32
    %add3A_419 = vector.broadcast %add3A_418 : i32 to vector<16xi32>
    %add3A_420 = arith.addi %get3A_417, %add3A_419 : vector<16xi32>
    %swap3A_421 = arith.constant 3 : i32
    %swap3A_422 = arith.index_cast %swap3A_421 : i32 to index
    %swap3A_423 = arith.constant 112 : index
    %swap3A_424 = tpu.vector_load %arg11[%swap3A_422, %swap3A_423] {strides = array<i32>} : memref<4x128xi32, #tpu.memory_space<vmem>>, vector<16xi32>,
    tpu.vector_store %arg11[%swap3A_422, %swap3A_423], %add3A_420 {strides = array<i32>} : memref<4x128xi32, #tpu.memory_space<vmem>>, vector<16xi32>,
    %dma_start3A_425 = arith.constant 0 : i32
    %dma_start3A_426 = arith.constant 0 : i32
    %dma_start3A_427 = arith.constant 0 : i32
    %dma_start3A_428 = tpu.memref_slice %arg17[%dma_start3A_426, %dma_start3A_427] : memref<512x16xf32, #tpu.memory_space<vmem>> -> memref<128x16xf32, #tpu.memory_space<vmem>>
    %dma_start3A_429 = arith.constant 0 : i32
    %dma_start3A_430 = tpu.memref_slice %arg11[%dma_start3A_425, %dma_start3A_429] : memref<4x128xi32, #tpu.memory_space<vmem>> -> memref<1x128xi32, #tpu.memory_space<vmem>>
    %dma_start3A_431 = tpu.memref_squeeze %dma_start3A_430 : memref<1x128xi32, #tpu.memory_space<vmem>> -> memref<128xi32, #tpu.memory_space<vmem>>
    %dma_start3A_432 = arith.constant 0 : i32
    %dma_start3A_433 = arith.constant 0 : i32
    %dma_start3A_434 = tpu.memref_slice %arg6[%dma_start3A_432, %dma_start3A_433] : memref<1548x16xf32, #tpu.memory_space<hbm>> -> memref<1548x16xf32, #tpu.memory_space<hbm>>
    tpu.enqueue_indirect_dma source(%dma_start3A_434 : memref<1548x16xf32, #tpu.memory_space<hbm>>) target(%dma_start3A_428 : memref<128x16xf32, #tpu.memory_space<vmem>>) offsets(%dma_start3A_431 : memref<128xi32, #tpu.memory_space<vmem>>) semaphore(%arg21 : memref<!tpu.dma_semaphore, #tpu.memory_space<semaphore_mem>>)
    %dma_start3A_435 = arith.constant 1 : i32
    %dma_start3A_436 = arith.constant 128 : i32
    %dma_start3A_437 = arith.constant 0 : i32
    %dma_start3A_438 = tpu.memref_slice %arg17[%dma_start3A_436, %dma_start3A_437] : memref<512x16xf32, #tpu.memory_space<vmem>> -> memref<128x16xf32, #tpu.memory_space<vmem>>
    %dma_start3A_439 = arith.constant 0 : i32
    %dma_start3A_440 = tpu.memref_slice %arg11[%dma_start3A_435, %dma_start3A_439] : memref<4x128xi32, #tpu.memory_space<vmem>> -> memref<1x128xi32, #tpu.memory_space<vmem>>
    %dma_start3A_441 = tpu.memref_squeeze %dma_start3A_440 : memref<1x128xi32, #tpu.memory_space<vmem>> -> memref<128xi32, #tpu.memory_space<vmem>>
    %dma_start3A_442 = arith.constant 0 : i32
    %dma_start3A_443 = arith.constant 0 : i32
    %dma_start3A_444 = tpu.memref_slice %arg6[%dma_start3A_442, %dma_start3A_443] : memref<1548x16xf32, #tpu.memory_space<hbm>> -> memref<1548x16xf32, #tpu.memory_space<hbm>>
    tpu.enqueue_indirect_dma source(%dma_start3A_444 : memref<1548x16xf32, #tpu.memory_space<hbm>>) target(%dma_start3A_438 : memref<128x16xf32, #tpu.memory_space<vmem>>) offsets(%dma_start3A_441 : memref<128xi32, #tpu.memory_space<vmem>>) semaphore(%arg21 : memref<!tpu.dma_semaphore, #tpu.memory_space<semaphore_mem>>)
    %dma_start3A_445 = arith.constant 2 : i32
    %dma_start3A_446 = arith.constant 256 : i32
    %dma_start3A_447 = arith.constant 0 : i32
    %dma_start3A_448 = tpu.memref_slice %arg17[%dma_start3A_446, %dma_start3A_447] : memref<512x16xf32, #tpu.memory_space<vmem>> -> memref<128x16xf32, #tpu.memory_space<vmem>>
    %dma_start3A_449 = arith.constant 0 : i32
    %dma_start3A_450 = tpu.memref_slice %arg11[%dma_start3A_445, %dma_start3A_449] : memref<4x128xi32, #tpu.memory_space<vmem>> -> memref<1x128xi32, #tpu.memory_space<vmem>>
    %dma_start3A_451 = tpu.memref_squeeze %dma_start3A_450 : memref<1x128xi32, #tpu.memory_space<vmem>> -> memref<128xi32, #tpu.memory_space<vmem>>
    %dma_start3A_452 = arith.constant 0 : i32
    %dma_start3A_453 = arith.constant 0 : i32
    %dma_start3A_454 = tpu.memref_slice %arg6[%dma_start3A_452, %dma_start3A_453] : memref<1548x16xf32, #tpu.memory_space<hbm>> -> memref<1548x16xf32, #tpu.memory_space<hbm>>
    tpu.enqueue_indirect_dma source(%dma_start3A_454 : memref<1548x16xf32, #tpu.memory_space<hbm>>) target(%dma_start3A_448 : memref<128x16xf32, #tpu.memory_space<vmem>>) offsets(%dma_start3A_451 : memref<128xi32, #tpu.memory_space<vmem>>) semaphore(%arg21 : memref<!tpu.dma_semaphore, #tpu.memory_space<semaphore_mem>>)
    %dma_start3A_455 = arith.constant 3 : i32
    %dma_start3A_456 = arith.constant 384 : i32
    %dma_start3A_457 = arith.constant 0 : i32
    %dma_start3A_458 = tpu.memref_slice %arg17[%dma_start3A_456, %dma_start3A_457] : memref<512x16xf32, #tpu.memory_space<vmem>> -> memref<128x16xf32, #tpu.memory_space<vmem>>
    %dma_start3A_459 = arith.constant 0 : i32
    %dma_start3A_460 = tpu.memref_slice %arg11[%dma_start3A_455, %dma_start3A_459] : memref<4x128xi32, #tpu.memory_space<vmem>> -> memref<1x128xi32, #tpu.memory_space<vmem>>
    %dma_start3A_461 = tpu.memref_squeeze %dma_start3A_460 : memref<1x128xi32, #tpu.memory_space<vmem>> -> memref<128xi32, #tpu.memory_space<vmem>>
    %dma_start3A_462 = arith.constant 0 : i32
    %dma_start3A_463 = arith.constant 0 : i32
    %dma_start3A_464 = tpu.memref_slice %arg6[%dma_start3A_462, %dma_start3A_463] : memref<1548x16xf32, #tpu.memory_space<hbm>> -> memref<1548x16xf32, #tpu.memory_space<hbm>>
    tpu.enqueue_indirect_dma source(%dma_start3A_464 : memref<1548x16xf32, #tpu.memory_space<hbm>>) target(%dma_start3A_458 : memref<128x16xf32, #tpu.memory_space<vmem>>) offsets(%dma_start3A_461 : memref<128xi32, #tpu.memory_space<vmem>>) semaphore(%arg21 : memref<!tpu.dma_semaphore, #tpu.memory_space<semaphore_mem>>)
    %dma_wait3A_465 = arith.constant 1500 : i32
    %dma_wait3A_466 = arith.constant 0 : i32
    %dma_wait3A_467 = tpu.memref_slice %arg6[%dma_wait3A_465, %dma_wait3A_466] : memref<1548x16xf32, #tpu.memory_space<hbm>> -> memref<48x16xf32, #tpu.memory_space<hbm>>
    %dma_wait3A_468 = arith.constant 1500 : i32
    %dma_wait3A_469 = arith.constant 0 : i32
    %dma_wait3A_470 = tpu.memref_slice %arg6[%dma_wait3A_468, %dma_wait3A_469] : memref<1548x16xf32, #tpu.memory_space<hbm>> -> memref<48x16xf32, #tpu.memory_space<hbm>>
    tpu.wait_dma2 semaphore(%arg20 : memref<!tpu.dma_semaphore, #tpu.memory_space<semaphore_mem>>) src(%dma_wait3A_470 : memref<48x16xf32, #tpu.memory_space<hbm>>) dst(%arg15 : memref<48x16xf32, #tpu.memory_space<vmem>>)
    %iota3A = tpu.iota {dimensions = array<i32: 0>} : vector<16xi32>
    %broadcast_in_dim3A = arith.constant 0 : i32
    %broadcast_in_dim3A_471 = vector.broadcast %broadcast_in_dim3A : i32 to vector<16xi32>
    %broadcast_in_dim3A_472 = arith.constant 1 : i32
    %broadcast_in_dim3A_473 = vector.broadcast %broadcast_in_dim3A_472 : i32 to vector<16xi32>
    %broadcast_in_dim3A_474 = arith.constant 2 : i32
    %broadcast_in_dim3A_475 = vector.broadcast %broadcast_in_dim3A_474 : i32 to vector<16xi32>
    %broadcast_in_dim3A_476 = arith.constant 3 : i32
    %broadcast_in_dim3A_477 = vector.broadcast %broadcast_in_dim3A_476 : i32 to vector<16xi32>
    %broadcast_in_dim3A_478 = arith.constant 4 : i32
    %broadcast_in_dim3A_479 = vector.broadcast %broadcast_in_dim3A_478 : i32 to vector<16xi32>
    %broadcast_in_dim3A_480 = arith.constant 5 : i32
    %broadcast_in_dim3A_481 = vector.broadcast %broadcast_in_dim3A_480 : i32 to vector<16xi32>
    %broadcast_in_dim3A_482 = arith.constant 6 : i32
    %broadcast_in_dim3A_483 = vector.broadcast %broadcast_in_dim3A_482 : i32 to vector<16xi32>
    %broadcast_in_dim3A_484 = arith.constant 7 : i32
    %broadcast_in_dim3A_485 = vector.broadcast %broadcast_in_dim3A_484 : i32 to vector<16xi32>
    %broadcast_in_dim3A_486 = arith.constant 8 : i32
    %broadcast_in_dim3A_487 = vector.broadcast %broadcast_in_dim3A_486 : i32 to vector<16xi32>
    %broadcast_in_dim3A_488 = arith.constant 9 : i32
    %broadcast_in_dim3A_489 = vector.broadcast %broadcast_in_dim3A_488 : i32 to vector<16xi32>
    %broadcast_in_dim3A_490 = arith.constant 10 : i32
    %broadcast_in_dim3A_491 = vector.broadcast %broadcast_in_dim3A_490 : i32 to vector<16xi32>
    %broadcast_in_dim3A_492 = arith.constant 11 : i32
    %broadcast_in_dim3A_493 = vector.broadcast %broadcast_in_dim3A_492 : i32 to vector<16xi32>
    %broadcast_in_dim3A_494 = arith.constant 12 : i32
    %broadcast_in_dim3A_495 = vector.broadcast %broadcast_in_dim3A_494 : i32 to vector<16xi32>
    %broadcast_in_dim3A_496 = arith.constant 13 : i32
    %broadcast_in_dim3A_497 = vector.broadcast %broadcast_in_dim3A_496 : i32 to vector<16xi32>
    %broadcast_in_dim3A_498 = arith.constant 14 : i32
    %broadcast_in_dim3A_499 = vector.broadcast %broadcast_in_dim3A_498 : i32 to vector<16xi32>
    %broadcast_in_dim3A_500 = arith.constant 15 : i32
    %broadcast_in_dim3A_501 = vector.broadcast %broadcast_in_dim3A_500 : i32 to vector<16xi32>
    %parallel_loop3A = arith.constant 0 : i32
    %parallel_loop3A_502 = arith.constant 32 : i32
    %parallel_loop3A_503 = arith.constant 1 : i32
    scf.for %parallel_loop3A_608 = %parallel_loop3A to %parallel_loop3A_502 step %parallel_loop3A_503  : i32 {
      %parallel_loop3A_609 = arith.constant 16 : i32
      %parallel_loop3A_610 = arith.muli %parallel_loop3A_608, %parallel_loop3A_609 : i32
      %parallel_loop3A_611 = vector.broadcast %parallel_loop3A_610 : i32 to vector<16xi32>
      %parallel_loop3A_612 = arith.addi %parallel_loop3A_611, %iota3A : vector<16xi32>
      %parallel_loop3A_613 = arith.index_cast %parallel_loop3A_610 : i32 to index
      %parallel_loop3A_614 = tpu.vector_load %arg13[%parallel_loop3A_613] {strides = array<i32>} : memref<512xi32, #tpu.memory_space<vmem>>, vector<16xi32>,
      %parallel_loop3A_615 = arith.constant 24 : i32
      %parallel_loop3A_616 = vector.broadcast %parallel_loop3A_615 : i32 to vector<16xi32>
      %parallel_loop3A_617 = arith.muli %parallel_loop3A_614, %parallel_loop3A_616 : vector<16xi32>
      %parallel_loop3A_618 = arith.index_cast %parallel_loop3A_610 : i32 to index
      %parallel_loop3A_619 = tpu.vector_load %arg14[%parallel_loop3A_618] {strides = array<i32>} : memref<512xi32, #tpu.memory_space<vmem>>, vector<16xi32>,
      %parallel_loop3A_620 = arith.addi %parallel_loop3A_617, %parallel_loop3A_619 : vector<16xi32>
      %parallel_loop3A_621 = tpu.vector_load_idx %arg15[%parallel_loop3A_620, %broadcast_in_dim3A_471] : memref<48x16xf32, #tpu.memory_space<vmem>>[vector<16xi32>, vector<16xi32>], vector<16xf32>,
      tpu.vector_store_idx %arg18[%parallel_loop3A_612, %broadcast_in_dim3A_471], %parallel_loop3A_621 : memref<512x16xf32, #tpu.memory_space<vmem>>[vector<16xi32>, vector<16xi32>], vector<16xf32>,
      %parallel_loop3A_622 = tpu.vector_load_idx %arg15[%parallel_loop3A_620, %broadcast_in_dim3A_473] : memref<48x16xf32, #tpu.memory_space<vmem>>[vector<16xi32>, vector<16xi32>], vector<16xf32>,
      tpu.vector_store_idx %arg18[%parallel_loop3A_612, %broadcast_in_dim3A_473], %parallel_loop3A_622 : memref<512x16xf32, #tpu.memory_space<vmem>>[vector<16xi32>, vector<16xi32>], vector<16xf32>,
      %parallel_loop3A_623 = tpu.vector_load_idx %arg15[%parallel_loop3A_620, %broadcast_in_dim3A_475] : memref<48x16xf32, #tpu.memory_space<vmem>>[vector<16xi32>, vector<16xi32>], vector<16xf32>,
      tpu.vector_store_idx %arg18[%parallel_loop3A_612, %broadcast_in_dim3A_475], %parallel_loop3A_623 : memref<512x16xf32, #tpu.memory_space<vmem>>[vector<16xi32>, vector<16xi32>], vector<16xf32>,
      %parallel_loop3A_624 = tpu.vector_load_idx %arg15[%parallel_loop3A_620, %broadcast_in_dim3A_477] : memref<48x16xf32, #tpu.memory_space<vmem>>[vector<16xi32>, vector<16xi32>], vector<16xf32>,
      tpu.vector_store_idx %arg18[%parallel_loop3A_612, %broadcast_in_dim3A_477], %parallel_loop3A_624 : memref<512x16xf32, #tpu.memory_space<vmem>>[vector<16xi32>, vector<16xi32>], vector<16xf32>,
      %parallel_loop3A_625 = tpu.vector_load_idx %arg15[%parallel_loop3A_620, %broadcast_in_dim3A_479] : memref<48x16xf32, #tpu.memory_space<vmem>>[vector<16xi32>, vector<16xi32>], vector<16xf32>,
      tpu.vector_store_idx %arg18[%parallel_loop3A_612, %broadcast_in_dim3A_479], %parallel_loop3A_625 : memref<512x16xf32, #tpu.memory_space<vmem>>[vector<16xi32>, vector<16xi32>], vector<16xf32>,
      %parallel_loop3A_626 = tpu.vector_load_idx %arg15[%parallel_loop3A_620, %broadcast_in_dim3A_481] : memref<48x16xf32, #tpu.memory_space<vmem>>[vector<16xi32>, vector<16xi32>], vector<16xf32>,
      tpu.vector_store_idx %arg18[%parallel_loop3A_612, %broadcast_in_dim3A_481], %parallel_loop3A_626 : memref<512x16xf32, #tpu.memory_space<vmem>>[vector<16xi32>, vector<16xi32>], vector<16xf32>,
      %parallel_loop3A_627 = tpu.vector_load_idx %arg15[%parallel_loop3A_620, %broadcast_in_dim3A_483] : memref<48x16xf32, #tpu.memory_space<vmem>>[vector<16xi32>, vector<16xi32>], vector<16xf32>,
      tpu.vector_store_idx %arg18[%parallel_loop3A_612, %broadcast_in_dim3A_483], %parallel_loop3A_627 : memref<512x16xf32, #tpu.memory_space<vmem>>[vector<16xi32>, vector<16xi32>], vector<16xf32>,
      %parallel_loop3A_628 = tpu.vector_load_idx %arg15[%parallel_loop3A_620, %broadcast_in_dim3A_485] : memref<48x16xf32, #tpu.memory_space<vmem>>[vector<16xi32>, vector<16xi32>], vector<16xf32>,
      tpu.vector_store_idx %arg18[%parallel_loop3A_612, %broadcast_in_dim3A_485], %parallel_loop3A_628 : memref<512x16xf32, #tpu.memory_space<vmem>>[vector<16xi32>, vector<16xi32>], vector<16xf32>,
      %parallel_loop3A_629 = tpu.vector_load_idx %arg15[%parallel_loop3A_620, %broadcast_in_dim3A_487] : memref<48x16xf32, #tpu.memory_space<vmem>>[vector<16xi32>, vector<16xi32>], vector<16xf32>,
      tpu.vector_store_idx %arg18[%parallel_loop3A_612, %broadcast_in_dim3A_487], %parallel_loop3A_629 : memref<512x16xf32, #tpu.memory_space<vmem>>[vector<16xi32>, vector<16xi32>], vector<16xf32>,
      %parallel_loop3A_630 = tpu.vector_load_idx %arg15[%parallel_loop3A_620, %broadcast_in_dim3A_489] : memref<48x16xf32, #tpu.memory_space<vmem>>[vector<16xi32>, vector<16xi32>], vector<16xf32>,
      tpu.vector_store_idx %arg18[%parallel_loop3A_612, %broadcast_in_dim3A_489], %parallel_loop3A_630 : memref<512x16xf32, #tpu.memory_space<vmem>>[vector<16xi32>, vector<16xi32>], vector<16xf32>,
      %parallel_loop3A_631 = tpu.vector_load_idx %arg15[%parallel_loop3A_620, %broadcast_in_dim3A_491] : memref<48x16xf32, #tpu.memory_space<vmem>>[vector<16xi32>, vector<16xi32>], vector<16xf32>,
      tpu.vector_store_idx %arg18[%parallel_loop3A_612, %broadcast_in_dim3A_491], %parallel_loop3A_631 : memref<512x16xf32, #tpu.memory_space<vmem>>[vector<16xi32>, vector<16xi32>], vector<16xf32>,
      %parallel_loop3A_632 = tpu.vector_load_idx %arg15[%parallel_loop3A_620, %broadcast_in_dim3A_493] : memref<48x16xf32, #tpu.memory_space<vmem>>[vector<16xi32>, vector<16xi32>], vector<16xf32>,
      tpu.vector_store_idx %arg18[%parallel_loop3A_612, %broadcast_in_dim3A_493], %parallel_loop3A_632 : memref<512x16xf32, #tpu.memory_space<vmem>>[vector<16xi32>, vector<16xi32>], vector<16xf32>,
      %parallel_loop3A_633 = tpu.vector_load_idx %arg15[%parallel_loop3A_620, %broadcast_in_dim3A_495] : memref<48x16xf32, #tpu.memory_space<vmem>>[vector<16xi32>, vector<16xi32>], vector<16xf32>,
      tpu.vector_store_idx %arg18[%parallel_loop3A_612, %broadcast_in_dim3A_495], %parallel_loop3A_633 : memref<512x16xf32, #tpu.memory_space<vmem>>[vector<16xi32>, vector<16xi32>], vector<16xf32>,
      %parallel_loop3A_634 = tpu.vector_load_idx %arg15[%parallel_loop3A_620, %broadcast_in_dim3A_497] : memref<48x16xf32, #tpu.memory_space<vmem>>[vector<16xi32>, vector<16xi32>], vector<16xf32>,
      tpu.vector_store_idx %arg18[%parallel_loop3A_612, %broadcast_in_dim3A_497], %parallel_loop3A_634 : memref<512x16xf32, #tpu.memory_space<vmem>>[vector<16xi32>, vector<16xi32>], vector<16xf32>,
      %parallel_loop3A_635 = tpu.vector_load_idx %arg15[%parallel_loop3A_620, %broadcast_in_dim3A_499] : memref<48x16xf32, #tpu.memory_space<vmem>>[vector<16xi32>, vector<16xi32>], vector<16xf32>,
      tpu.vector_store_idx %arg18[%parallel_loop3A_612, %broadcast_in_dim3A_499], %parallel_loop3A_635 : memref<512x16xf32, #tpu.memory_space<vmem>>[vector<16xi32>, vector<16xi32>], vector<16xf32>,
      %parallel_loop3A_636 = tpu.vector_load_idx %arg15[%parallel_loop3A_620, %broadcast_in_dim3A_501] : memref<48x16xf32, #tpu.memory_space<vmem>>[vector<16xi32>, vector<16xi32>], vector<16xf32>,
      tpu.vector_store_idx %arg18[%parallel_loop3A_612, %broadcast_in_dim3A_501], %parallel_loop3A_636 : memref<512x16xf32, #tpu.memory_space<vmem>>[vector<16xi32>, vector<16xi32>], vector<16xf32>,
    } {sc.loop_unroll_factor = 4 : i64, sc.parallel_access}
    %dma_wait3A_504 = arith.constant 0 : i32
    %dma_wait3A_505 = arith.constant 0 : i32
    %dma_wait3A_506 = arith.constant 0 : i32
    %dma_wait3A_507 = tpu.memref_slice %arg16[%dma_wait3A_505, %dma_wait3A_506] : memref<512x16xf32, #tpu.memory_space<vmem>> -> memref<128x16xf32, #tpu.memory_space<vmem>>
    %dma_wait3A_508 = arith.constant 0 : i32
    %dma_wait3A_509 = tpu.memref_slice %arg10[%dma_wait3A_504, %dma_wait3A_508] : memref<4x128xi32, #tpu.memory_space<vmem>> -> memref<1x128xi32, #tpu.memory_space<vmem>>
    %dma_wait3A_510 = tpu.memref_squeeze %dma_wait3A_509 : memref<1x128xi32, #tpu.memory_space<vmem>> -> memref<128xi32, #tpu.memory_space<vmem>>
    %dma_wait3A_511 = arith.constant 0 : i32
    %dma_wait3A_512 = arith.constant 0 : i32
    %dma_wait3A_513 = tpu.memref_slice %arg6[%dma_wait3A_511, %dma_wait3A_512] : memref<1548x16xf32, #tpu.memory_space<hbm>> -> memref<1548x16xf32, #tpu.memory_space<hbm>>
    tpu.wait_indirect_dma semaphore(%arg21 : memref<!tpu.dma_semaphore, #tpu.memory_space<semaphore_mem>>) src(%dma_wait3A_513 : memref<1548x16xf32, #tpu.memory_space<hbm>>) dst(%dma_wait3A_507 : memref<128x16xf32, #tpu.memory_space<vmem>>)
    %dma_wait3A_514 = arith.constant 1 : i32
    %dma_wait3A_515 = arith.constant 128 : i32
    %dma_wait3A_516 = arith.constant 0 : i32
    %dma_wait3A_517 = tpu.memref_slice %arg16[%dma_wait3A_515, %dma_wait3A_516] : memref<512x16xf32, #tpu.memory_space<vmem>> -> memref<128x16xf32, #tpu.memory_space<vmem>>
    %dma_wait3A_518 = arith.constant 0 : i32
    %dma_wait3A_519 = tpu.memref_slice %arg10[%dma_wait3A_514, %dma_wait3A_518] : memref<4x128xi32, #tpu.memory_space<vmem>> -> memref<1x128xi32, #tpu.memory_space<vmem>>
    %dma_wait3A_520 = tpu.memref_squeeze %dma_wait3A_519 : memref<1x128xi32, #tpu.memory_space<vmem>> -> memref<128xi32, #tpu.memory_space<vmem>>
    %dma_wait3A_521 = arith.constant 0 : i32
    %dma_wait3A_522 = arith.constant 0 : i32
    %dma_wait3A_523 = tpu.memref_slice %arg6[%dma_wait3A_521, %dma_wait3A_522] : memref<1548x16xf32, #tpu.memory_space<hbm>> -> memref<1548x16xf32, #tpu.memory_space<hbm>>
    tpu.wait_indirect_dma semaphore(%arg21 : memref<!tpu.dma_semaphore, #tpu.memory_space<semaphore_mem>>) src(%dma_wait3A_523 : memref<1548x16xf32, #tpu.memory_space<hbm>>) dst(%dma_wait3A_517 : memref<128x16xf32, #tpu.memory_space<vmem>>)
    %dma_wait3A_524 = arith.constant 2 : i32
    %dma_wait3A_525 = arith.constant 256 : i32
    %dma_wait3A_526 = arith.constant 0 : i32
    %dma_wait3A_527 = tpu.memref_slice %arg16[%dma_wait3A_525, %dma_wait3A_526] : memref<512x16xf32, #tpu.memory_space<vmem>> -> memref<128x16xf32, #tpu.memory_space<vmem>>
    %dma_wait3A_528 = arith.constant 0 : i32
    %dma_wait3A_529 = tpu.memref_slice %arg10[%dma_wait3A_524, %dma_wait3A_528] : memref<4x128xi32, #tpu.memory_space<vmem>> -> memref<1x128xi32, #tpu.memory_space<vmem>>
    %dma_wait3A_530 = tpu.memref_squeeze %dma_wait3A_529 : memref<1x128xi32, #tpu.memory_space<vmem>> -> memref<128xi32, #tpu.memory_space<vmem>>
    %dma_wait3A_531 = arith.constant 0 : i32
    %dma_wait3A_532 = arith.constant 0 : i32
    %dma_wait3A_533 = tpu.memref_slice %arg6[%dma_wait3A_531, %dma_wait3A_532] : memref<1548x16xf32, #tpu.memory_space<hbm>> -> memref<1548x16xf32, #tpu.memory_space<hbm>>
    tpu.wait_indirect_dma semaphore(%arg21 : memref<!tpu.dma_semaphore, #tpu.memory_space<semaphore_mem>>) src(%dma_wait3A_533 : memref<1548x16xf32, #tpu.memory_space<hbm>>) dst(%dma_wait3A_527 : memref<128x16xf32, #tpu.memory_space<vmem>>)
    %dma_wait3A_534 = arith.constant 3 : i32
    %dma_wait3A_535 = arith.constant 384 : i32
    %dma_wait3A_536 = arith.constant 0 : i32
    %dma_wait3A_537 = tpu.memref_slice %arg16[%dma_wait3A_535, %dma_wait3A_536] : memref<512x16xf32, #tpu.memory_space<vmem>> -> memref<128x16xf32, #tpu.memory_space<vmem>>
    %dma_wait3A_538 = arith.constant 0 : i32
    %dma_wait3A_539 = tpu.memref_slice %arg10[%dma_wait3A_534, %dma_wait3A_538] : memref<4x128xi32, #tpu.memory_space<vmem>> -> memref<1x128xi32, #tpu.memory_space<vmem>>
    %dma_wait3A_540 = tpu.memref_squeeze %dma_wait3A_539 : memref<1x128xi32, #tpu.memory_space<vmem>> -> memref<128xi32, #tpu.memory_space<vmem>>
    %dma_wait3A_541 = arith.constant 0 : i32
    %dma_wait3A_542 = arith.constant 0 : i32
    %dma_wait3A_543 = tpu.memref_slice %arg6[%dma_wait3A_541, %dma_wait3A_542] : memref<1548x16xf32, #tpu.memory_space<hbm>> -> memref<1548x16xf32, #tpu.memory_space<hbm>>
    tpu.wait_indirect_dma semaphore(%arg21 : memref<!tpu.dma_semaphore, #tpu.memory_space<semaphore_mem>>) src(%dma_wait3A_543 : memref<1548x16xf32, #tpu.memory_space<hbm>>) dst(%dma_wait3A_537 : memref<128x16xf32, #tpu.memory_space<vmem>>)
    %dma_wait3A_544 = arith.constant 0 : i32
    %dma_wait3A_545 = arith.constant 0 : i32
    %dma_wait3A_546 = arith.constant 0 : i32
    %dma_wait3A_547 = tpu.memref_slice %arg17[%dma_wait3A_545, %dma_wait3A_546] : memref<512x16xf32, #tpu.memory_space<vmem>> -> memref<128x16xf32, #tpu.memory_space<vmem>>
    %dma_wait3A_548 = arith.constant 0 : i32
    %dma_wait3A_549 = tpu.memref_slice %arg11[%dma_wait3A_544, %dma_wait3A_548] : memref<4x128xi32, #tpu.memory_space<vmem>> -> memref<1x128xi32, #tpu.memory_space<vmem>>
    %dma_wait3A_550 = tpu.memref_squeeze %dma_wait3A_549 : memref<1x128xi32, #tpu.memory_space<vmem>> -> memref<128xi32, #tpu.memory_space<vmem>>
    %dma_wait3A_551 = arith.constant 0 : i32
    %dma_wait3A_552 = arith.constant 0 : i32
    %dma_wait3A_553 = tpu.memref_slice %arg6[%dma_wait3A_551, %dma_wait3A_552] : memref<1548x16xf32, #tpu.memory_space<hbm>> -> memref<1548x16xf32, #tpu.memory_space<hbm>>
    tpu.wait_indirect_dma semaphore(%arg21 : memref<!tpu.dma_semaphore, #tpu.memory_space<semaphore_mem>>) src(%dma_wait3A_553 : memref<1548x16xf32, #tpu.memory_space<hbm>>) dst(%dma_wait3A_547 : memref<128x16xf32, #tpu.memory_space<vmem>>)
    %dma_wait3A_554 = arith.constant 1 : i32
    %dma_wait3A_555 = arith.constant 128 : i32
    %dma_wait3A_556 = arith.constant 0 : i32
    %dma_wait3A_557 = tpu.memref_slice %arg17[%dma_wait3A_555, %dma_wait3A_556] : memref<512x16xf32, #tpu.memory_space<vmem>> -> memref<128x16xf32, #tpu.memory_space<vmem>>
    %dma_wait3A_558 = arith.constant 0 : i32
    %dma_wait3A_559 = tpu.memref_slice %arg11[%dma_wait3A_554, %dma_wait3A_558] : memref<4x128xi32, #tpu.memory_space<vmem>> -> memref<1x128xi32, #tpu.memory_space<vmem>>
    %dma_wait3A_560 = tpu.memref_squeeze %dma_wait3A_559 : memref<1x128xi32, #tpu.memory_space<vmem>> -> memref<128xi32, #tpu.memory_space<vmem>>
    %dma_wait3A_561 = arith.constant 0 : i32
    %dma_wait3A_562 = arith.constant 0 : i32
    %dma_wait3A_563 = tpu.memref_slice %arg6[%dma_wait3A_561, %dma_wait3A_562] : memref<1548x16xf32, #tpu.memory_space<hbm>> -> memref<1548x16xf32, #tpu.memory_space<hbm>>
    tpu.wait_indirect_dma semaphore(%arg21 : memref<!tpu.dma_semaphore, #tpu.memory_space<semaphore_mem>>) src(%dma_wait3A_563 : memref<1548x16xf32, #tpu.memory_space<hbm>>) dst(%dma_wait3A_557 : memref<128x16xf32, #tpu.memory_space<vmem>>)
    %dma_wait3A_564 = arith.constant 2 : i32
    %dma_wait3A_565 = arith.constant 256 : i32
    %dma_wait3A_566 = arith.constant 0 : i32
    %dma_wait3A_567 = tpu.memref_slice %arg17[%dma_wait3A_565, %dma_wait3A_566] : memref<512x16xf32, #tpu.memory_space<vmem>> -> memref<128x16xf32, #tpu.memory_space<vmem>>
    %dma_wait3A_568 = arith.constant 0 : i32
    %dma_wait3A_569 = tpu.memref_slice %arg11[%dma_wait3A_564, %dma_wait3A_568] : memref<4x128xi32, #tpu.memory_space<vmem>> -> memref<1x128xi32, #tpu.memory_space<vmem>>
    %dma_wait3A_570 = tpu.memref_squeeze %dma_wait3A_569 : memref<1x128xi32, #tpu.memory_space<vmem>> -> memref<128xi32, #tpu.memory_space<vmem>>
    %dma_wait3A_571 = arith.constant 0 : i32
    %dma_wait3A_572 = arith.constant 0 : i32
    %dma_wait3A_573 = tpu.memref_slice %arg6[%dma_wait3A_571, %dma_wait3A_572] : memref<1548x16xf32, #tpu.memory_space<hbm>> -> memref<1548x16xf32, #tpu.memory_space<hbm>>
    tpu.wait_indirect_dma semaphore(%arg21 : memref<!tpu.dma_semaphore, #tpu.memory_space<semaphore_mem>>) src(%dma_wait3A_573 : memref<1548x16xf32, #tpu.memory_space<hbm>>) dst(%dma_wait3A_567 : memref<128x16xf32, #tpu.memory_space<vmem>>)
    %dma_wait3A_574 = arith.constant 3 : i32
    %dma_wait3A_575 = arith.constant 384 : i32
    %dma_wait3A_576 = arith.constant 0 : i32
    %dma_wait3A_577 = tpu.memref_slice %arg17[%dma_wait3A_575, %dma_wait3A_576] : memref<512x16xf32, #tpu.memory_space<vmem>> -> memref<128x16xf32, #tpu.memory_space<vmem>>
    %dma_wait3A_578 = arith.constant 0 : i32
    %dma_wait3A_579 = tpu.memref_slice %arg11[%dma_wait3A_574, %dma_wait3A_578] : memref<4x128xi32, #tpu.memory_space<vmem>> -> memref<1x128xi32, #tpu.memory_space<vmem>>
    %dma_wait3A_580 = tpu.memref_squeeze %dma_wait3A_579 : memref<1x128xi32, #tpu.memory_space<vmem>> -> memref<128xi32, #tpu.memory_space<vmem>>
    %dma_wait3A_581 = arith.constant 0 : i32
    %dma_wait3A_582 = arith.constant 0 : i32
    %dma_wait3A_583 = tpu.memref_slice %arg6[%dma_wait3A_581, %dma_wait3A_582] : memref<1548x16xf32, #tpu.memory_space<hbm>> -> memref<1548x16xf32, #tpu.memory_space<hbm>>
    tpu.wait_indirect_dma semaphore(%arg21 : memref<!tpu.dma_semaphore, #tpu.memory_space<semaphore_mem>>) src(%dma_wait3A_583 : memref<1548x16xf32, #tpu.memory_space<hbm>>) dst(%dma_wait3A_577 : memref<128x16xf32, #tpu.memory_space<vmem>>)
    %dma_start3A_584 = arith.constant 0 : i32
    %dma_start3A_585 = tpu.memref_slice %arg7[%mul3A_2, %dma_start3A_584] : memref<16384x16xf32, #tpu.memory_space<hbm>> -> memref<512x16xf32, #tpu.memory_space<hbm>>
    %dma_start3A_586 = arith.constant 0 : i32
    %dma_start3A_587 = tpu.memref_slice %arg7[%mul3A_2, %dma_start3A_586] : memref<16384x16xf32, #tpu.memory_space<hbm>> -> memref<512x16xf32, #tpu.memory_space<hbm>>
    tpu.enqueue_dma source(%arg16 : memref<512x16xf32, #tpu.memory_space<vmem>>) target(%dma_start3A_587 : memref<512x16xf32, #tpu.memory_space<hbm>>) target_semaphore(%arg22 : memref<!tpu.dma_semaphore, #tpu.memory_space<semaphore_mem>>)
    %dma_start3A_588 = arith.constant 0 : i32
    %dma_start3A_589 = tpu.memref_slice %arg8[%mul3A_2, %dma_start3A_588] : memref<16384x16xf32, #tpu.memory_space<hbm>> -> memref<512x16xf32, #tpu.memory_space<hbm>>
    %dma_start3A_590 = arith.constant 0 : i32
    %dma_start3A_591 = tpu.memref_slice %arg8[%mul3A_2, %dma_start3A_590] : memref<16384x16xf32, #tpu.memory_space<hbm>> -> memref<512x16xf32, #tpu.memory_space<hbm>>
    tpu.enqueue_dma source(%arg17 : memref<512x16xf32, #tpu.memory_space<vmem>>) target(%dma_start3A_591 : memref<512x16xf32, #tpu.memory_space<hbm>>) target_semaphore(%arg22 : memref<!tpu.dma_semaphore, #tpu.memory_space<semaphore_mem>>)
    %dma_start3A_592 = arith.constant 0 : i32
    %dma_start3A_593 = tpu.memref_slice %arg9[%mul3A_2, %dma_start3A_592] : memref<16384x16xf32, #tpu.memory_space<hbm>> -> memref<512x16xf32, #tpu.memory_space<hbm>>
    %dma_start3A_594 = arith.constant 0 : i32
    %dma_start3A_595 = tpu.memref_slice %arg9[%mul3A_2, %dma_start3A_594] : memref<16384x16xf32, #tpu.memory_space<hbm>> -> memref<512x16xf32, #tpu.memory_space<hbm>>
    tpu.enqueue_dma source(%arg18 : memref<512x16xf32, #tpu.memory_space<vmem>>) target(%dma_start3A_595 : memref<512x16xf32, #tpu.memory_space<hbm>>) target_semaphore(%arg22 : memref<!tpu.dma_semaphore, #tpu.memory_space<semaphore_mem>>)
    %dma_wait3A_596 = arith.constant 0 : i32
    %dma_wait3A_597 = tpu.memref_slice %arg7[%mul3A_2, %dma_wait3A_596] : memref<16384x16xf32, #tpu.memory_space<hbm>> -> memref<512x16xf32, #tpu.memory_space<hbm>>
    %dma_wait3A_598 = arith.constant 0 : i32
    %dma_wait3A_599 = tpu.memref_slice %arg7[%mul3A_2, %dma_wait3A_598] : memref<16384x16xf32, #tpu.memory_space<hbm>> -> memref<512x16xf32, #tpu.memory_space<hbm>>
    tpu.wait_dma2 semaphore(%arg22 : memref<!tpu.dma_semaphore, #tpu.memory_space<semaphore_mem>>) src(%arg16 : memref<512x16xf32, #tpu.memory_space<vmem>>) dst(%dma_wait3A_599 : memref<512x16xf32, #tpu.memory_space<hbm>>)
    %dma_wait3A_600 = arith.constant 0 : i32
    %dma_wait3A_601 = tpu.memref_slice %arg8[%mul3A_2, %dma_wait3A_600] : memref<16384x16xf32, #tpu.memory_space<hbm>> -> memref<512x16xf32, #tpu.memory_space<hbm>>
    %dma_wait3A_602 = arith.constant 0 : i32
    %dma_wait3A_603 = tpu.memref_slice %arg8[%mul3A_2, %dma_wait3A_602] : memref<16384x16xf32, #tpu.memory_space<hbm>> -> memref<512x16xf32, #tpu.memory_space<hbm>>
    tpu.wait_dma2 semaphore(%arg22 : memref<!tpu.dma_semaphore, #tpu.memory_space<semaphore_mem>>) src(%arg17 : memref<512x16xf32, #tpu.memory_space<vmem>>) dst(%dma_wait3A_603 : memref<512x16xf32, #tpu.memory_space<hbm>>)
    %dma_wait3A_604 = arith.constant 0 : i32
    %dma_wait3A_605 = tpu.memref_slice %arg9[%mul3A_2, %dma_wait3A_604] : memref<16384x16xf32, #tpu.memory_space<hbm>> -> memref<512x16xf32, #tpu.memory_space<hbm>>
    %dma_wait3A_606 = arith.constant 0 : i32
    %dma_wait3A_607 = tpu.memref_slice %arg9[%mul3A_2, %dma_wait3A_606] : memref<16384x16xf32, #tpu.memory_space<hbm>> -> memref<512x16xf32, #tpu.memory_space<hbm>>
    tpu.wait_dma2 semaphore(%arg22 : memref<!tpu.dma_semaphore, #tpu.memory_space<semaphore_mem>>) src(%arg18 : memref<512x16xf32, #tpu.memory_space<vmem>>) dst(%dma_wait3A_607 : memref<512x16xf32, #tpu.memory_space<hbm>>)
    return
  }
}

module attributes {stable_mosaic.version = 14 : i64} {
  func.func @_mlp_body(%arg0: i32, %arg1: memref<1024x128xf32, #tpu.memory_space<vmem>>, %arg2: memref<1024x128xf32, #tpu.memory_space<vmem>>, %arg3: memref<1024x128xf32, #tpu.memory_space<vmem>>, %arg4: memref<128x256xf32, #tpu.memory_space<vmem>>, %arg5: memref<128x256xf32, #tpu.memory_space<vmem>>, %arg6: memref<128x256xf32, #tpu.memory_space<vmem>>, %arg7: memref<1x32xf32, #tpu.memory_space<vmem>>, %arg8: memref<256x8xf32, #tpu.memory_space<vmem>>, %arg9: memref<1x1xf32, #tpu.memory_space<vmem>>, %arg10: memref<1024x8xf32, #tpu.memory_space<vmem>>) attributes {dimension_semantics = [#tpu.dimension_semantics<arbitrary>], iteration_bounds = array<i64: 2>, scalar_prefetch = 0 : i64, scratch_operands = 0 : i64, tpu.core_type = #tpu.core_type<tc>, window_params = [{transform_indices = @transform_0, window_bounds = array<i64: 1024, 128>}, {transform_indices = @transform_1, window_bounds = array<i64: 1024, 128>}, {transform_indices = @transform_2, window_bounds = array<i64: 1024, 128>}, {pipeline_mode = #tpu.pipeline_mode<synchronous>, transform_indices = @transform_3, window_bounds = array<i64: 128, 256>}, {pipeline_mode = #tpu.pipeline_mode<synchronous>, transform_indices = @transform_4, window_bounds = array<i64: 128, 256>}, {pipeline_mode = #tpu.pipeline_mode<synchronous>, transform_indices = @transform_5, window_bounds = array<i64: 128, 256>}, {pipeline_mode = #tpu.pipeline_mode<synchronous>, transform_indices = @transform_6, window_bounds = array<i64: 1, 32>}, {pipeline_mode = #tpu.pipeline_mode<synchronous>, transform_indices = @transform_7, window_bounds = array<i64: 256, 8>}, {pipeline_mode = #tpu.pipeline_mode<synchronous>, transform_indices = @transform_8, window_bounds = array<i64: 1, 1>}, {transform_indices = @transform_9, window_bounds = array<i64: 1024, 8>}]} {
    %get3A = arith.constant 0 : index
    %get3A_0 = arith.constant 0 : index
    %get3A_1 = vector.load %arg7[%get3A, %get3A_0] : memref<1x32xf32, #tpu.memory_space<vmem>>, vector<1x32xf32>
    %concatenate3A = tpu.concatenate %get3A_1, %get3A_1, %get3A_1, %get3A_1, %get3A_1, %get3A_1, %get3A_1, %get3A_1 in 1 : vector<1x32xf32>, vector<1x32xf32>, vector<1x32xf32>, vector<1x32xf32>, vector<1x32xf32>, vector<1x32xf32>, vector<1x32xf32>, vector<1x32xf32> -> vector<1x256xf32>
    %get3A_2 = arith.constant 0 : index
    %get3A_3 = arith.constant 0 : index
    %get3A_4 = vector.load %arg1[%get3A_2, %get3A_3] : memref<1024x128xf32, #tpu.memory_space<vmem>>, vector<1024x128xf32>
    %get3A_5 = arith.constant 0 : index
    %get3A_6 = arith.constant 0 : index
    %get3A_7 = vector.load %arg4[%get3A_5, %get3A_6] : memref<128x256xf32, #tpu.memory_space<vmem>>, vector<128x256xf32>
    %dot_general3A = arith.constant dense<0.000000e+00> : vector<1024x256xf32>
    %dot_general3A_8 = tpu.matmul %get3A_4, %get3A_7, %dot_general3A {dimension_numbers = #tpu.dot_dimension_numbers<[1], [0], [0], [1], [0, 0, 1, 1], [], []>, transpose_lhs_hint = false} : vector<1024x128xf32>, vector<128x256xf32>, vector<1024x256xf32> -> vector<1024x256xf32>
    %get3A_9 = arith.constant 0 : index
    %get3A_10 = arith.constant 0 : index
    %get3A_11 = vector.load %arg2[%get3A_9, %get3A_10] : memref<1024x128xf32, #tpu.memory_space<vmem>>, vector<1024x128xf32>
    %get3A_12 = arith.constant 0 : index
    %get3A_13 = arith.constant 0 : index
    %get3A_14 = vector.load %arg5[%get3A_12, %get3A_13] : memref<128x256xf32, #tpu.memory_space<vmem>>, vector<128x256xf32>
    %dot_general3A_15 = arith.constant dense<0.000000e+00> : vector<1024x256xf32>
    %dot_general3A_16 = tpu.matmul %get3A_11, %get3A_14, %dot_general3A_15 {dimension_numbers = #tpu.dot_dimension_numbers<[1], [0], [0], [1], [0, 0, 1, 1], [], []>, transpose_lhs_hint = false} : vector<1024x128xf32>, vector<128x256xf32>, vector<1024x256xf32> -> vector<1024x256xf32>
    %add3A = arith.addf %dot_general3A_8, %dot_general3A_16 : vector<1024x256xf32>
    %get3A_17 = arith.constant 0 : index
    %get3A_18 = arith.constant 0 : index
    %get3A_19 = vector.load %arg3[%get3A_17, %get3A_18] : memref<1024x128xf32, #tpu.memory_space<vmem>>, vector<1024x128xf32>
    %get3A_20 = arith.constant 0 : index
    %get3A_21 = arith.constant 0 : index
    %get3A_22 = vector.load %arg6[%get3A_20, %get3A_21] : memref<128x256xf32, #tpu.memory_space<vmem>>, vector<128x256xf32>
    %dot_general3A_23 = arith.constant dense<0.000000e+00> : vector<1024x256xf32>
    %dot_general3A_24 = tpu.matmul %get3A_19, %get3A_22, %dot_general3A_23 {dimension_numbers = #tpu.dot_dimension_numbers<[1], [0], [0], [1], [0, 0, 1, 1], [], []>, transpose_lhs_hint = false} : vector<1024x128xf32>, vector<128x256xf32>, vector<1024x256xf32> -> vector<1024x256xf32>
    %add3A_25 = arith.addf %add3A, %dot_general3A_24 : vector<1024x256xf32>
    %add3A_26 = vector.broadcast %concatenate3A : vector<1x256xf32> to vector<1024x256xf32>
    %add3A_27 = arith.addf %add3A_25, %add3A_26 : vector<1024x256xf32>
    %max3A = arith.constant 0.000000e+00 : f32
    %max3A_28 = vector.broadcast %max3A : f32 to vector<1024x256xf32>
    %max3A_29 = arith.maximumf %add3A_27, %max3A_28 : vector<1024x256xf32>
    %get3A_30 = arith.constant 0 : index
    %get3A_31 = arith.constant 0 : index
    %get3A_32 = vector.load %arg8[%get3A_30, %get3A_31] : memref<256x8xf32, #tpu.memory_space<vmem>>, vector<256x8xf32>
    %dot_general3A_33 = arith.constant dense<0.000000e+00> : vector<1024x8xf32>
    %dot_general3A_34 = tpu.matmul %max3A_29, %get3A_32, %dot_general3A_33 {dimension_numbers = #tpu.dot_dimension_numbers<[1], [0], [0], [1], [0, 0, 1, 1], [], []>, transpose_lhs_hint = false} : vector<1024x256xf32>, vector<256x8xf32>, vector<1024x8xf32> -> vector<1024x8xf32>
    %get3A_35 = arith.constant 0 : index
    %get3A_36 = arith.constant 0 : index
    %get3A_37 = vector.load %arg9[%get3A_35, %get3A_36] : memref<1x1xf32, #tpu.memory_space<vmem>>, vector<1x1xf32>
    %add3A_38 = vector.broadcast %get3A_37 : vector<1x1xf32> to vector<1024x8xf32>
    %add3A_39 = arith.addf %dot_general3A_34, %add3A_38 : vector<1024x8xf32>
    %swap3A = arith.constant 0 : index
    %swap3A_40 = arith.constant 0 : index
    %swap3A_41 = vector.load %arg10[%swap3A, %swap3A_40] : memref<1024x8xf32, #tpu.memory_space<vmem>>, vector<1024x8xf32>
    tpu.vector_store %arg10[%swap3A, %swap3A_40], %add3A_39 {strides = array<i32>} : memref<1024x8xf32, #tpu.memory_space<vmem>>, vector<1024x8xf32>,
    return
  }
  func.func @transform_0(%arg0: i32) -> (i32, i32) {
    %c0_i32 = arith.constant 0 : i32
    %c0_i32_0 = arith.constant 0 : i32
    return %arg0, %c0_i32 : i32, i32
  }
  func.func @transform_1(%arg0: i32) -> (i32, i32) {
    %c0_i32 = arith.constant 0 : i32
    %c0_i32_0 = arith.constant 0 : i32
    return %arg0, %c0_i32 : i32, i32
  }
  func.func @transform_2(%arg0: i32) -> (i32, i32) {
    %c0_i32 = arith.constant 0 : i32
    %c0_i32_0 = arith.constant 0 : i32
    return %arg0, %c0_i32 : i32, i32
  }
  func.func @transform_3(%arg0: i32) -> (i32, i32) {
    %c0_i32 = arith.constant 0 : i32
    %c0_i32_0 = arith.constant 0 : i32
    %c0_i32_1 = arith.constant 0 : i32
    return %c0_i32, %c0_i32_0 : i32, i32
  }
  func.func @transform_4(%arg0: i32) -> (i32, i32) {
    %c0_i32 = arith.constant 0 : i32
    %c0_i32_0 = arith.constant 0 : i32
    %c0_i32_1 = arith.constant 0 : i32
    return %c0_i32, %c0_i32_0 : i32, i32
  }
  func.func @transform_5(%arg0: i32) -> (i32, i32) {
    %c0_i32 = arith.constant 0 : i32
    %c0_i32_0 = arith.constant 0 : i32
    %c0_i32_1 = arith.constant 0 : i32
    return %c0_i32, %c0_i32_0 : i32, i32
  }
  func.func @transform_6(%arg0: i32) -> (i32, i32) {
    %c0_i32 = arith.constant 0 : i32
    %c0_i32_0 = arith.constant 0 : i32
    %c0_i32_1 = arith.constant 0 : i32
    return %c0_i32, %c0_i32_0 : i32, i32
  }
  func.func @transform_7(%arg0: i32) -> (i32, i32) {
    %c0_i32 = arith.constant 0 : i32
    %c0_i32_0 = arith.constant 0 : i32
    %c0_i32_1 = arith.constant 0 : i32
    return %c0_i32, %c0_i32_0 : i32, i32
  }
  func.func @transform_8(%arg0: i32) -> (i32, i32) {
    %c0_i32 = arith.constant 0 : i32
    %c0_i32_0 = arith.constant 0 : i32
    %c0_i32_1 = arith.constant 0 : i32
    return %c0_i32, %c0_i32_0 : i32, i32
  }
  func.func @transform_9(%arg0: i32) -> (i32, i32) {
    %c0_i32 = arith.constant 0 : i32
    %c0_i32_0 = arith.constant 0 : i32
    return %arg0, %c0_i32 : i32, i32
  }
}

</mosaic_0001>

<sc_bundles>
// kernel: kernel.4.cloned.1.call-start
scs
__scs_entry_jumppad:
0x0: {  	(pc) =	sbr.rel $0x88, $3  }
0x1: {  	(tag) =	ssettag $0x0;
	lr =	simm.s32 $0x1  }
0x2: {  	[smem:$0x3F95] =	sst lr;
	_ =	strace $0xD0000000  }
0x3: {  	_ = 	snop  }
0x4: {  	_ = 	snop  }
0x5: {  	_ = 	snop  }
0x6: {  	_ = 	snop  }
0x7: {  	_ = 	snop  }
__scs_overlays_trampoline_lowered:
0x8: {  	[smem:$0x3FA4] =	sst s0  }
0x9: {  	[smem:$0x3FA5] =	sst s1  }
0xa: {  	[smem:$0x3FA6] =	sst s2  }
0xb: {  	[smem:$0x3FA7] =	sst s3  }
0xc: {  	[smem:$0x3FA8] =	sst s4  }
0xd: {  	[smem:$0x3FA9] =	sst s5  }
0xe: {  	[smem:$0x3FAA] =	sst s6  }
0xf: {  	[smem:$0x3FAB] =	sst s7  }
0x10: {  	[smem:$0x3FAC] =	sst s8  }
0x11: {  	[smem:$0x3FAD] =	sst s9;
	s0 =	simm.s32 @!p0 $0x0  }
0x12: {  	s1 =	sld [smem:$0x3F93];
	s0 =	simm.s32 @p0 $0x1  }
0x13: {  	[smem:$0x3FAE] =	sst s0;
	s0 =	simm.s32 @!p1 $0x0  }
0x14: {  	s2 =	sld [smem:$0x3F92];
	s0 =	simm.s32 @p1 $0x1  }
0x15: {  	[smem:$0x3FAF] =	sst s0;
	s0 =	simm.s32 @!p2 $0x0  }
0x16: {  	s3 =	sld [smem:$0x3FDB];
	s0 =	simm.s32 @p2 $0x1  }
0x17: {  	s4 =	simm.s32 $0x1BF5;
	[smem:$0x3FB1] =	sst s0  }
0x18: {  	s0 =	sld [smem:$0x3F94];
	_ =	swait.ge [sflag:s4], $0x0  }
0x19: {  	s7 =	sld [smem:$0x3F95]  }
0x1a: {  	s8 =	sadd.s32 $0xFFFFE003, lr  }
0x1b: {  	s9 =	sadd.s32 $0xFFFFFEF7, lr;
	s5 =	simm.s32 $0xFFFFFFFF;
	p2 =	slt.u32 s8, $0xFFFFF086  }
0x1c: {  	p1 =	slt.u32 s9, $0xF7A;
	s5 =	simm.s32 @!p2 $0x0  }
0x1d: {  	s5 =	simm.s32 @p1 $0x1;
	p0 =	seq.s32 s7, s2  }
0x1e: {  	s7 =	smul.u32 @!p0 $0xF7A, s2;
	p2 =	seq.s32 @!p0 s5, $0x0  }
0x1f: {  	s9 =	smul.u32 $0xF7A, s1;
	s8 =	simm.s32 @!p0 $0x1BF5;
	p2 =	por !p2, p0  }
0x20: {  	[sflag:s8] =	ssyncset.s32 @!p0 $0xFFFFF086;
	s6 =	sadd.s32 @!p0 s3, s7;
	s7 =	simm.s32 @!p0 $0x108  }
0x21: {  	s3 =	sadd.s32 s3, s9;
	s6 =	sadd.s32 @!p0 $0x88, s6;
	s7 =	simm.s32 @p2 $0x1082  }
0x22: {  	[simem:s7], [sflag:s8] =	dma.local @!p0 [hbm:s6], $0xF7A  }
0x23: {  	s9 =	sor.u32 $0xD0000000, s2;
	s6 =	simm.s32 $0x108;
	_ =	swait.ge @!p0 [sflag:s8], $0x0  }
0x24: {  	s3 =	sadd.s32 $0x88, s3;
	s6 =	simm.s32 @!p1 $0x1082;
	[sflag:s4] =	ssyncset.s32 $0xFFFFF086  }
0x25: {  	[simem:s6], [sflag:s4] =	dma.local [hbm:s3], $0xF7A  }
0x26: {  	[smem:$0x3F95] =	sst s1;
	(tag) =	ssettag s2;
	_ =	strace s9  }
0x27: {  	s1 =	sld [smem:$0x3FA5]  }
0x28: {  	s2 =	sld [smem:$0x3FA6]  }
0x29: {  	s4 =	sld [smem:$0x3FA8]  }
0x2a: {  	p0 =	seq.s32 s5, $0x0;
	s5 =	sld [smem:$0x3FA9]  }
0x2b: {  	s6 =	sld [smem:$0x3FAA]  }
0x2c: {  	s7 =	sld [smem:$0x3FAB]  }
0x2d: {  	s3 =	simm.s32 $0x108;
	s8 =	sld [smem:$0x3FAC]  }
0x2e: {  	s3 =	simm.s32 @!p0 $0x1082;
	s9 =	sld [smem:$0x3FAD]  }
0x2f: {  	lr =	sadd.s32 s0, s3;
	s0 =	sld [smem:$0x3FA4]  }
0x30: {  	s3 =	sld [smem:$0x3FA7]  }
0x31: {  	[smem:$0x3FB0] =	sst s10  }
0x32: {  	s10 =	sld [smem:$0x3FAE];
	_ =	sdelay $0x3  }
0x33: {  	p0 =	seq.s32 s10, $0x1;
	s10 =	sld [smem:$0x3FB0];
	_ =	sdelay $0x3  }
0x34: {  	[smem:$0x3FB0] =	sst s10  }
0x35: {  	s10 =	sld [smem:$0x3FAF];
	_ =	sdelay $0x3  }
0x36: {  	p1 =	seq.s32 s10, $0x1;
	s10 =	sld [smem:$0x3FB0];
	_ =	sdelay $0x3  }
0x37: {  	[smem:$0x3FB0] =	sst s10  }
0x38: {  	s10 =	sld [smem:$0x3FB1]  }
0x39: {  	_ = 	snop;
	(pc) =	sbr.ind lr, $3  }
0x3a: {  	_ = 	snop  }
0x3b: {  	_ = 	snop  }
0x3c: {  	p2 =	seq.s32 s10, $0x1;
	s10 =	sld [smem:$0x3FB0]  }
0x3d: {  	_ =	shalt  }
0x3e: {  	_ =	shalt  }
0x3f: {  	_ =	shalt  }
0x40: {  	_ =	shalt  }
0x41: {  	_ =	shalt  }
0x42: {  	_ =	shalt  }
0x43: {  	_ =	shalt  }
0x44: {  	_ =	shalt  }
0x45: {  	_ =	shalt  }
0x46: {  	_ =	shalt  }
0x47: {  	_ =	shalt  }
0x48: {  	_ =	shalt  }
0x49: {  	_ =	shalt  }
0x4a: {  	_ =	shalt  }
0x4b: {  	_ =	shalt  }
0x4c: {  	_ =	shalt  }
0x4d: {  	_ =	shalt  }
0x4e: {  	_ =	shalt  }
0x4f: {  	_ =	shalt  }
0x50: {  	_ =	shalt  }
0x51: {  	_ =	shalt  }
0x52: {  	_ =	shalt  }
0x53: {  	_ =	shalt  }
0x54: {  	_ =	shalt  }
0x55: {  	_ =	shalt  }
0x56: {  	_ =	shalt  }
0x57: {  	_ =	shalt  }
0x58: {  	_ =	shalt  }
0x59: {  	_ =	shalt  }
0x5a: {  	_ =	shalt  }
0x5b: {  	_ =	shalt  }
0x5c: {  	_ =	shalt  }
0x5d: {  	_ =	shalt  }
0x5e: {  	_ =	shalt  }
0x5f: {  	_ =	shalt  }
0x60: {  	_ =	shalt  }
0x61: {  	_ =	shalt  }
0x62: {  	_ =	shalt  }
0x63: {  	_ =	shalt  }
0x64: {  	_ =	shalt  }
0x65: {  	_ =	shalt  }
0x66: {  	_ =	shalt  }
0x67: {  	_ =	shalt  }
0x68: {  	_ =	shalt  }
0x69: {  	_ =	shalt  }
0x6a: {  	_ =	shalt  }
0x6b: {  	_ =	shalt  }
0x6c: {  	_ =	shalt  }
0x6d: {  	_ =	shalt  }
0x6e: {  	_ =	shalt  }
0x6f: {  	_ =	shalt  }
0x70: {  	_ =	shalt  }
0x71: {  	_ =	shalt  }
0x72: {  	_ =	shalt  }
0x73: {  	_ =	shalt  }
0x74: {  	_ =	shalt  }
0x75: {  	_ =	shalt  }
0x76: {  	_ =	shalt  }
0x77: {  	_ =	shalt  }
0x78: {  	_ =	shalt  }
0x79: {  	_ =	shalt  }
0x7a: {  	_ =	shalt  }
0x7b: {  	_ =	shalt  }
0x7c: {  	_ =	shalt  }
0x7d: {  	_ =	shalt  }
0x7e: {  	_ =	shalt  }
0x7f: {  	_ =	shalt  }
0x80: {  	_ =	shalt  }
0x81: {  	_ =	shalt  }
0x82: {  	_ =	shalt  }
0x83: {  	_ =	shalt  }
0x84: {  	_ =	shalt  }
0x85: {  	_ =	shalt  }
0x86: {  	_ =	shalt  }
0x87: {  	_ =	shalt  }
.Lfunc_end0:
.L_simem_size_0:
called_computation_lowered:
.L_overlay_start_0:
0x88: {  	s2 =	sld [smem:$0x3FD9]  }
0x89: {  	s3 =	sld [smem:$0x3FFE];
	_ =	sdelay $0x1  }
0x8a: {  	s1 =	srdreg.scid  }
0x8b: {  	s0 =	sand.u32 $0x1, s1  }
0x8c: {  	s17 =	sshll.u32 s0, $0xA;
	s2 =	sadd.s32 s3, s2  }
0x8d: {  	s2 =	sadd.s32 s2, s17  }
0x8e: {  	[smem:$0x3FBC] =	sst s2  }
0x8f: {  	_ = 	snop  }
0x90: {  	s2 =	sld [smem:$0x3FC9]  }
0x91: {  	s18 =	sld [smem:$0x3FC8]  }
0x92: {  	s4 =	sld [smem:$0x3FC7]  }
0x93: {  	s5 =	sld [smem:$0x3FC6];
	(tm) =	ssettm $0x1  }
0x94: {  	s6 =	sld [smem:$0x3FFB];
	_ =	sdelay $0x3  }
0x95: {  	_ =	strace s6  }
0x96: {  	s6 =	sld [smem:$0x3FFC];
	_ =	sdelay $0x3  }
0x97: {  	_ =	strace s6  }
0x98: {  	s6 =	sld [smem:$0x3FFD];
	_ =	sdelay $0x3  }
0x99: {  	_ =	strace s6  }
0x9a: {  	_ =	strace $0x8FFFFFFF  }
0x9b: {  	s19 =	sld [smem:$0x3FDB];
	_ =	sdelay $0x1  }
0x9c: {  	s7 =	simm.s32 $_scs_section_size  }
0x9d: {  	s8 =	simm.s32 $_size__tile_overlayer_lowered;
	s9 =	simm.s32 $_tile_overlayer_lowered  }
0x9e: {  	s22 =	simm.s32 $0x1BFF;
	s21 =	sshll.u32 s9, $0x1;
	s6 =	sadd.s32 s7, s19  }
0x9f: {  	s10 =	simm.s32 $0x0;
	s20 =	sshll.u32 s8, $0x1;
	s8 =	sadd.s32 s21, s6  }
0xa0: {  	[timem:s10], [sflag:s22] =	dma.local [hbm:s8], s20  }
0xa1: {  	_ =	swait.ge [sflag:s22], s20  }
0xa2: {  	s7 =	ssub.s32 $0x0, s20;
	[sflag:s22] =	ssyncset.done $0x0  }
0xa3: {  	[sflag:s22] =	ssyncadd.s32 s7;
	_ =	sdelay $0x1  }
0xa4: {  	s23 =	simm.s32 $0x1B8B  }
0xa5: {  	_ =	swait.ge [sflag:s23], $0x1  }
0xa6: {  	[sflag:s23] =	ssyncset.done $0x0  }
0xa7: {  	s25 =	simm.s32 $0x1B8E;
	s24 =	sld [smem:$0x3FFE];
	[sflag:s23] =	ssyncadd.s32 $0xFFFFFFFF  }
0xa8: {  	s26 =	simm.s32 $execute0_lowered;
	[smem:$0x3FD2] =	sst s25  }
0xa9: {  	s8 =	sshll.u32 s26, $0x1;
	_ =	strace $0x80000046;
	[dreg:$0x1] =	wrdreg $0xFFFFFFFF  }
0xaa: {  	s28 =	simm.s32 $_size_execute0_lowered;
	s6 =	sadd.s32 s6, s8;
	[dreg:$0x0] =	wrdreg $0x0  }
0xab: {  	s8 =	sshll.u32 s28, $0x1;
	[dreg:$0x2] =	wrdreg s6  }
0xac: {  	[dreg:$0x3] =	wrdreg s8  }
0xad: {  	[dreg:$0x4] =	wrdreg $0xC0  }
0xae: {  	_ =	task [dreg:s10], $0x5FFFF  }
0xaf: {  	[dreg:$0x1] =	wrdreg $0xFFFFFFFF  }
0xb0: {  	[dreg:$0x0] =	wrdreg $0x60  }
0xb1: {  	[dreg:$0x2] =	wrdreg s2  }
0xb2: {  	[dreg:$0x3] =	wrdreg s18  }
0xb3: {  	[dreg:$0x4] =	wrdreg s4  }
0xb4: {  	[dreg:$0x5] =	wrdreg s5  }
0xb5: {  	[dreg:$0x6] =	wrdreg s24  }
0xb6: {  	[dreg:$0x7] =	wrdreg $0x9  }
0xb7: {  	_ =	task.clear_ibuf [dreg:s10], $0x8FFFF;
	_ =	strace $0x90000046  }
0xb8: {  	s29 =	simm.s32 $0x9;
	_ =	strace $0x80000048  }
0xb9: {  	_ =	swait.ge [sflag:s29], $0x1  }
0xba: {  	[sflag:s29] =	ssyncadd.s32 $0xFFFFFFFF  }
0xbb: {  	_ =	strace $0x90000048  }
0xbc: {  	_ =	sfence  }
0xbd: {  	s30 =	sld [smem:$0x0];
	_ =	sdelay $0x2  }
0xbe: {  	s31 =	sshll.u32 s1, $0xD;
	s1 =	sshrl.u32 s1, $0x2  }
0xbf: {  	s3 =	sand.u32 $0x4000, s31;
	s1 =	sadd.s32 s1, s30  }
0xc0: {  	s0 =	sor.u32 s3, s0;
	s1 =	sshll.u32 s1, $0x11  }
0xc1: {  	s0 =	sor.u32 s1, s0  }
0xc2: {  	s0 =	sadd.s32 $0x8F2B, s0  }
0xc3: {  	[sflag:s0] =	ssyncadd.remote.s32 $0x1  }
0xc4: {  	_ =	sfence.sel $0xFFFF  }
0xc5: {  	[dreg:$0x0] =	wrdreg $0xFFFFFFFF;
	(pc) =	sbr.abs _section_cstart, $3  }
0xc6: {  	[dreg:$0x1] =	wrdreg $0xFFFFFFFF  }
0xc7: {  	_ =	task.clear_ibuf [dreg:s10], $0x2FFFF;
	_ =	strace $0x9FFFFFFF  }
0xc8: {  	(tm) =	ssettm $0x7FFFFFFF  }
0xc9: {  	_ =	shalt  }
tec
execute0_lowered:
.L_overlay_start_1:
0x0: {  	(tag) =	ssettag $0x1  }
0x1: {  	s0 =	rddreg [dreg:$0x0]  }
0x2: {  	s1 =	rddreg [dreg:$0x1]  }
0x3: {  	s5 =	rddreg [dreg:$0x2]  }
0x4: {  	s6 =	rddreg [dreg:$0x3]  }
0x5: {  	s11 =	rddreg [dreg:$0x4];
	s2 =	simm.s32 $0x0  }
0x6: {  	s3 =	srdreg.scid;
	s7 =	stileid.u32;
	s19 =	simm.s32 $0x80  }
0x7: {  	s20 =	simm.s32 $0x100;
	s21 =	simm.s32 $0x180;
	s22 =	simm.s32 $0xA00  }
0x8: {  	s23 =	simm.s32 $0x1;
	s24 =	simm.s32 $0xD00;
	s30 =	simm.s32 $0x2D00  }
0x9: {  	s25 =	simm.s32 $0x2;
	s26 =	simm.s32 $0x4D00;
	s28 =	simm.s32 $0x3  }
0xa: {  	s29 =	simm.s32 $0x4;
	s31 =	simm.s32 $0x0;
	s4 =	sand.u32 $0x1, s3  }
0xb: {  	[smem:$0x7FF] =	sst s2;
	s7 =	sshll.u32 s7, $0xA;
	s8 =	sshll.u32 s4, $0x9  }
0xc: {  	s3 =	sadd.s32 $0x2000, s11;
	s4 =	ssub.s32 $0x2, s4;
	s7 =	sor.u32 s8, s7  }
0xd: {  	_ =	strace $0x80000047;
	s9 =	sshrl.u32 s4, $0x1;
	s8 =	sshll.u32 s7, $0x1  }
0xe: {  	s7 =	sshrl.u32 s7, $0x3;
	s15 =	ssub.s32 s4, s9;
	s14 =	sadd.s32 s8, s11  }
0xf: {  	s4 =	sadd.s32 s1, s7;
	s5 =	sadd.s32 s5, s7;
	s6 =	sadd.s32 s6, s7  }
0x10: {  	s7 =	sadd.s32 s0, s7;
	s11 =	sadd.s32 $0x2BB8, s11;
	s15 =	smax.u32 s15, $0x1  }
0x11: {  	v0 =	vlaneseq.u32;
	s8 =	sadd.s32 $0x10, s7;
	s9 =	sadd.s32 $0x20, s7;
	s10 =	sadd.s32 $0x30, s7  }
0x12: {  	v0 =	vmul.u32 $0x10, v0;
	s12 =	sadd.s32 $0x2E00, s14;
	s13 =	sadd.s32 $0xAE00, s14;
	s14 =	sadd.s32 $0x12E00, s14  }
.LBB2_1:
0x13: {  	s0 =	simm.s32 $0x400  }
0x14: {  	[tilespmem:s0], [sflag:$0x1] =	stream.linear.gather [hbm4b:s4+s2], $0x200, $0x38;
	[tilespmem:$0x6D00] =	vst v63  }
0x15: {  	s16 =	simm.s32 $0x600  }
0x16: {  	[tilespmem:s16], [sflag:$0x1] =	stream.linear.gather [hbm4b:s5+s2], $0x200, $0x38;
	[tilespmem:$0x6D00] =	vst v63  }
0x17: {  	s17 =	simm.s32 $0x800  }
0x18: {  	[tilespmem:s17], [sflag:$0x1] =	stream.linear.gather [hbm4b:s6+s2], $0x200, $0x38;
	[tilespmem:$0x6D00] =	vst v63  }
0x19: {  	_ = 	snop  }
0x1a: {  	[tilespmem:s2], [sflag:$0x1] =	stream.linear.gather [hbm4b:s7+s2], $0x80, $0x38;
	[tilespmem:$0x6D00] =	vst v63  }
0x1b: {  	_ = 	snop  }
0x1c: {  	[tilespmem:s19], [sflag:$0x1] =	stream.linear.gather [hbm4b:s8+s2], $0x80, $0x38;
	[tilespmem:$0x6D00] =	vst v63  }
0x1d: {  	_ = 	snop  }
0x1e: {  	[tilespmem:s20], [sflag:$0x1] =	stream.linear.gather [hbm4b:s9+s2], $0x80, $0x38;
	[tilespmem:$0x6D00] =	vst v63  }
0x1f: {  	_ = 	snop  }
0x20: {  	[tilespmem:s21], [sflag:$0x1] =	stream.linear.gather [hbm4b:s10+s2], $0x80, $0x38;
	[tilespmem:$0x6D00] =	vst v63  }
0x21: {  	_ = 	snop  }
0x22: {  	[tilespmem:s22], [sflag:$0x2] =	stream.linear.gather [hbm4b:s11+s2], $0x300, $0x38;
	[tilespmem:$0x6D00] =	vst v63  }
0x23: {  	_ =	swait.ge [sflag:s23], $0x200  }
0x24: {  	[sflag:s23] =	ssyncset.done $0x0  }
0x25: {  	[sflag:s23] =	ssyncadd.s32 $0xFFFFFE00  }
0x26: {  	_ =	swait.ge [sflag:s23], $0x200  }
0x27: {  	[sflag:s23] =	ssyncset.done $0x0  }
0x28: {  	[sflag:s23] =	ssyncadd.s32 $0xFFFFFE00  }
0x29: {  	_ =	swait.ge [sflag:s23], $0x200  }
0x2a: {  	[sflag:s23] =	ssyncset.done $0x0  }
0x2b: {  	[sflag:s23] =	ssyncadd.s32 $0xFFFFFE00  }
0x2c: {  	_ =	swait.ge [sflag:s23], $0x80  }
0x2d: {  	[sflag:s23] =	ssyncset.done $0x0  }
0x2e: {  	[sflag:s23] =	ssyncadd.s32 $0xFFFFFF80  }
0x2f: {  	_ =	swait.ge [sflag:s23], $0x80  }
0x30: {  	[sflag:s23] =	ssyncset.done $0x0  }
0x31: {  	[sflag:s23] =	ssyncadd.s32 $0xFFFFFF80  }
0x32: {  	_ =	swait.ge [sflag:s23], $0x80  }
0x33: {  	[sflag:s23] =	ssyncset.done $0x0  }
0x34: {  	[sflag:s23] =	ssyncadd.s32 $0xFFFFFF80  }
0x35: {  	_ =	swait.ge [sflag:s23], $0x80  }
0x36: {  	[sflag:s23] =	ssyncset.done $0x0  }
0x37: {  	[sflag:s23] =	ssyncadd.s32 $0xFFFFFF80  }
0x38: {  	[tilespmem:s24], [sflag:$0x3] =	stream.indirect.gather [hbm4b:s3+s19], $0x10, s2, s19, $0xb8;
	[tilespmem:$0x6D00] =	vst v63  }
0x39: {  	s18 =	simm.s32 $0x1500  }
0x3a: {  	[tilespmem:s18], [sflag:$0x3] =	stream.indirect.gather [hbm4b:s3+s19], $0x10, s19, s19, $0xb8;
	[tilespmem:$0x6D00] =	vst v63  }
0x3b: {  	s1 =	simm.s32 $0x1D00  }
0x3c: {  	[tilespmem:s1], [sflag:$0x3] =	stream.indirect.gather [hbm4b:s3+s19], $0x10, s20, s19, $0xb8;
	[tilespmem:$0x6D00] =	vst v63  }
0x3d: {  	s16 =	simm.s32 $0x2500  }
0x3e: {  	[tilespmem:s16], [sflag:$0x3] =	stream.indirect.gather [hbm4b:s3+s19], $0x10, s21, s19, $0xb8;
	[tilespmem:$0x6D00] =	vst v63  }
0x3f: {  	v1 =	vld [tilespmem:$0x400]  }
0x40: {  	v2 =	vld [tilespmem:$0x410]  }
0x41: {  	v3 =	vld [tilespmem:$0x420]  }
0x42: {  	v4 =	vld [tilespmem:$0x430]  }
0x43: {  	v5 =	vld [tilespmem:$0x440]  }
0x44: {  	v6 =	vld [tilespmem:$0x450];
	v1 =	vadd.s32 $0x3E8, v1  }
0x45: {  	[tilespmem:$0x200] =	vst v1;
	v1 =	vadd.s32 $0x3E8, v2;
	v2 =	vld [tilespmem:$0x460]  }
0x46: {  	[tilespmem:$0x210] =	vst v1;
	v1 =	vadd.s32 $0x3E8, v3;
	v3 =	vld [tilespmem:$0x470]  }
0x47: {  	[tilespmem:$0x220] =	vst v1;
	v1 =	vadd.s32 $0x3E8, v4;
	v4 =	vld [tilespmem:$0x480]  }
0x48: {  	[tilespmem:$0x230] =	vst v1;
	v1 =	vadd.s32 $0x3E8, v5;
	v5 =	vld [tilespmem:$0x490]  }
0x49: {  	[tilespmem:$0x240] =	vst v1;
	v1 =	vadd.s32 $0x3E8, v6;
	v6 =	vld [tilespmem:$0x4A0]  }
0x4a: {  	[tilespmem:$0x250] =	vst v1;
	v1 =	vadd.s32 $0x3E8, v2;
	v2 =	vld [tilespmem:$0x4B0]  }
0x4b: {  	[tilespmem:$0x260] =	vst v1;
	v1 =	vadd.s32 $0x3E8, v3;
	v3 =	vld [tilespmem:$0x4C0]  }
0x4c: {  	[tilespmem:$0x270] =	vst v1;
	v1 =	vadd.s32 $0x3E8, v4;
	v4 =	vld [tilespmem:$0x4D0]  }
0x4d: {  	[tilespmem:$0x280] =	vst v1;
	v1 =	vadd.s32 $0x3E8, v5;
	v5 =	vld [tilespmem:$0x4E0]  }
0x4e: {  	[tilespmem:$0x290] =	vst v1;
	v1 =	vadd.s32 $0x3E8, v6;
	v6 =	vld [tilespmem:$0x4F0]  }
0x4f: {  	[tilespmem:$0x2A0] =	vst v1;
	v1 =	vadd.s32 $0x3E8, v2;
	v2 =	vld [tilespmem:$0x500]  }
0x50: {  	[tilespmem:$0x2B0] =	vst v1;
	v1 =	vadd.s32 $0x3E8, v3;
	v3 =	vld [tilespmem:$0x510]  }
0x51: {  	[tilespmem:$0x2C0] =	vst v1;
	v1 =	vadd.s32 $0x3E8, v4;
	v4 =	vld [tilespmem:$0x520]  }
0x52: {  	[tilespmem:$0x2D0] =	vst v1;
	v1 =	vadd.s32 $0x3E8, v5;
	v5 =	vld [tilespmem:$0x530]  }
0x53: {  	[tilespmem:$0x2E0] =	vst v1;
	v1 =	vadd.s32 $0x3E8, v6;
	v6 =	vld [tilespmem:$0x540]  }
0x54: {  	[tilespmem:$0x2F0] =	vst v1;
	v1 =	vadd.s32 $0x3E8, v2;
	v2 =	vld [tilespmem:$0x550]  }
0x55: {  	[tilespmem:$0x300] =	vst v1;
	v1 =	vadd.s32 $0x3E8, v3;
	v3 =	vld [tilespmem:$0x560]  }
0x56: {  	[tilespmem:$0x310] =	vst v1;
	v1 =	vadd.s32 $0x3E8, v4;
	v4 =	vld [tilespmem:$0x570]  }
0x57: {  	[tilespmem:$0x320] =	vst v1;
	v1 =	vadd.s32 $0x3E8, v5;
	v5 =	vld [tilespmem:$0x580]  }
0x58: {  	[tilespmem:$0x330] =	vst v1;
	v1 =	vadd.s32 $0x3E8, v6;
	v6 =	vld [tilespmem:$0x590]  }
0x59: {  	[tilespmem:$0x340] =	vst v1;
	v1 =	vadd.s32 $0x3E8, v2;
	v2 =	vld [tilespmem:$0x5A0]  }
0x5a: {  	[tilespmem:$0x350] =	vst v1;
	v1 =	vadd.s32 $0x3E8, v3;
	v3 =	vld [tilespmem:$0x5B0]  }
0x5b: {  	[tilespmem:$0x360] =	vst v1;
	v1 =	vadd.s32 $0x3E8, v4;
	v4 =	vld [tilespmem:$0x5C0]  }
0x5c: {  	[tilespmem:$0x370] =	vst v1;
	v1 =	vadd.s32 $0x3E8, v5;
	v5 =	vld [tilespmem:$0x5D0]  }
0x5d: {  	[tilespmem:$0x380] =	vst v1;
	v1 =	vadd.s32 $0x3E8, v6;
	v6 =	vld [tilespmem:$0x5E0]  }
0x5e: {  	[tilespmem:$0x390] =	vst v1;
	v1 =	vadd.s32 $0x3E8, v2;
	v2 =	vld [tilespmem:$0x5F0]  }
0x5f: {  	[tilespmem:$0x3A0] =	vst v1;
	v1 =	vadd.s32 $0x3E8, v3  }
0x60: {  	[tilespmem:$0x3B0] =	vst v1;
	v1 =	vadd.s32 $0x3E8, v4  }
0x61: {  	[tilespmem:$0x3C0] =	vst v1;
	v1 =	vadd.s32 $0x3E8, v5  }
0x62: {  	[tilespmem:$0x3D0] =	vst v1;
	v1 =	vadd.s32 $0x3E8, v6  }
0x63: {  	[tilespmem:$0x3E0] =	vst v1;
	v1 =	vadd.s32 $0x3E8, v2  }
0x64: {  	s17 =	simm.s32 $0x200;
	[tilespmem:$0x3F0] =	vst v1  }
0x65: {  	[tilespmem:s30], [sflag:$0x3] =	stream.indirect.gather [hbm4b:s3+s19], $0x10, s17, s19, $0xb8;
	[tilespmem:$0x6D00] =	vst v63  }
0x66: {  	s18 =	simm.s32 $0x280;
	s1 =	simm.s32 $0x3500  }
0x67: {  	[tilespmem:s1], [sflag:$0x3] =	stream.indirect.gather [hbm4b:s3+s19], $0x10, s18, s19, $0xb8;
	[tilespmem:$0x6D00] =	vst v63  }
0x68: {  	s16 =	simm.s32 $0x3D00;
	s1 =	simm.s32 $0x300  }
0x69: {  	[tilespmem:s16], [sflag:$0x3] =	stream.indirect.gather [hbm4b:s3+s19], $0x10, s1, s19, $0xb8;
	[tilespmem:$0x6D00] =	vst v63  }
0x6a: {  	s17 =	simm.s32 $0x380;
	s18 =	simm.s32 $0x4500  }
0x6b: {  	[tilespmem:s18], [sflag:$0x3] =	stream.indirect.gather [hbm4b:s3+s19], $0x10, s17, s19, $0xb8;
	[tilespmem:$0x6D00] =	vst v63  }
0x6c: {  	_ =	swait.ge [sflag:s25], $0x300  }
0x6d: {  	[sflag:s25] =	ssyncset.done $0x0  }
0x6e: {  	s1 =	simm.s32 $0x620;
	[sflag:s25] =	ssyncadd.s32 $0xFFFFFD00  }
0x6f: {  	v1 =	vld [tilespmem:s1+$0x10]  }
0x70: {  	v3 =	vld [tilespmem:s1+$0xFFFFFFF0]  }
0x71: {  	s16 =	simm.s32 $0x820;
	v4 =	vld [tilespmem:s1+$0x0]  }
0x72: {  	v2 =	vld [tilespmem:s16+$0xFFFFFFF0]  }
0x73: {  	v6 =	vld [tilespmem:s16+$0x0]  }
0x74: {  	v7 =	vld [tilespmem:s16+$0x10]  }
0x75: {  	v5 =	vld [tilespmem:s1+$0xFFFFFFE0];
	v3 =	vmul.u32 $0x18, v3  }
0x76: {  	v4 =	vmul.u32 $0x18, v4  }
0x77: {  	v9 =	vld [tilespmem:s16+$0xFFFFFFE0];
	v1 =	vmul.u32 $0x18, v1;
	v2 =	vadd.s32 v2, v3  }
0x78: {  	v3 =	vadd.s32 v6, v4;
	v8 =	vshll.u32 v2, $0x4  }
0x79: {  	v2 =	vadd.s32 v7, v1;
	v1 =	vshll.u32 v3, $0x4  }
0x7a: {  	s17 =	simm.s32 $0x10;
	s18 =	simm.s32 $0x30;
	v4 =	vmul.u32 $0x18, v5;
	v6 =	vshll.u32 v2, $0x4  }
0x7b: {  	s16 =	simm.s32 $0x20;
	v5 =	vmov s18;
	v3 =	vmov s17  }
0x7c: {  	v7 =	vmov s16;
	v2 =	vadd.s32 v9, v4;
	v3 =	vshll.u32 v3, $0x4  }
0x7d: {  	v4 =	vshll.u32 v2, $0x4;
	v2 =	vshll.u32 v7, $0x4;
	v7 =	vor.u32 v0, v3;
	v9 =	vld.idx.msk [tilespmem:v8+s22+$0x0], $0xffff  }
0x7e: {  	v5 =	vshll.u32 v5, $0x4;
	v11 =	vor.u32 $0x1, v8;
	v3 =	vor.u32 v0, v2;
	v10 =	vld.idx.msk [tilespmem:v1+s22+$0x0], $0xffff  }
0x7f: {  	v5 =	vor.u32 v0, v5;
	v13 =	vor.u32 $0x1, v1;
	v12 =	vld.idx.msk [tilespmem:v6+s22+$0x0], $0xffff  }
0x80: {  	v14 =	vor.u32 $0x1, v6;
	v2 =	vmov s2  }
0x81: {  	v2 =	vshll.u32 v2, $0x4  }
0x82: {  	v2 =	vor.u32 v0, v2;
	v15 =	vld.idx.msk [tilespmem:v4+s22+$0x0], $0xffff;
	[tilespmem:v7+s26+$0x0] =	vst.idx.msk $0xffff, v9  }
0x83: {  	v9 =	vor.u32 $0x1, v4;
	[tilespmem:v3+s26+$0x0] =	vst.idx.msk $0xffff, v10;
	v10 =	vld.idx.msk [tilespmem:v11+s22+$0x0], $0xffff;
	v11 =	vor.u32 $0x1, v7  }
0x84: {  	v16 =	vor.u32 $0x1, v3;
	[tilespmem:v5+s26+$0x0] =	vst.idx.msk $0xffff, v12;
	v12 =	vld.idx.msk [tilespmem:v13+s22+$0x0], $0xffff;
	v13 =	vor.u32 $0x2, v8  }
0x85: {  	v18 =	vor.u32 $0x2, v1;
	v17 =	vor.u32 $0x1, v5;
	v14 =	vld.idx.msk [tilespmem:v14+s22+$0x0], $0xffff;
	_ =	sdelay $0x1  }
0x86: {  	[tilespmem:v2+s26+$0x0] =	vst.idx.msk $0xffff, v15  }
0x87: {  	v19 =	vor.u32 $0x2, v6;
	v15 =	vor.u32 $0x1, v2;
	v9 =	vld.idx.msk [tilespmem:v9+s22+$0x0], $0xffff;
	[tilespmem:v11+s26+$0x0] =	vst.idx.msk $0xffff, v10  }
0x88: {  	v10 =	vor.u32 $0x2, v4;
	[tilespmem:v16+s26+$0x0] =	vst.idx.msk $0xffff, v12;
	v12 =	vor.u32 $0x2, v7;
	v11 =	vld.idx.msk [tilespmem:v13+s22+$0x0], $0xffff  }
0x89: {  	v16 =	vor.u32 $0x3, v8;
	[tilespmem:v17+s26+$0x0] =	vst.idx.msk $0xffff, v14;
	v13 =	vld.idx.msk [tilespmem:v18+s22+$0x0], $0xffff;
	v14 =	vor.u32 $0x2, v3;
	_ =	sdelay $0x2  }
0x8a: {  	v17 =	vor.u32 $0x3, v1;
	v18 =	vld.idx.msk [tilespmem:v19+s22+$0x0], $0xffff;
	v19 =	vor.u32 $0x2, v5;
	[tilespmem:v15+s26+$0x0] =	vst.idx.msk $0xffff, v9  }
0x8b: {  	v20 =	vor.u32 $0x3, v6;
	v9 =	vld.idx.msk [tilespmem:v10+s22+$0x0], $0xffff;
	v10 =	vor.u32 $0x2, v2;
	[tilespmem:v12+s26+$0x0] =	vst.idx.msk $0xffff, v11  }
0x8c: {  	v11 =	vor.u32 $0x3, v4;
	[tilespmem:v14+s26+$0x0] =	vst.idx.msk $0xffff, v13;
	v13 =	vor.u32 $0x3, v7;
	v12 =	vld.idx.msk [tilespmem:v16+s22+$0x0], $0xffff  }
0x8d: {  	v16 =	vor.u32 $0x4, v8;
	_ =	sdelay $0x1  }
0x8e: {  	v15 =	vor.u32 $0x3, v3;
	v14 =	vld.idx.msk [tilespmem:v17+s22+$0x0], $0xffff;
	[tilespmem:v19+s26+$0x0] =	vst.idx.msk $0xffff, v18  }
0x8f: {  	v17 =	vor.u32 $0x4, v1;
	v19 =	vor.u32 $0x3, v5;
	v18 =	vld.idx.msk [tilespmem:v20+s22+$0x0], $0xffff;
	[tilespmem:v10+s26+$0x0] =	vst.idx.msk $0xffff, v9  }
0x90: {  	v20 =	vor.u32 $0x4, v6;
	v10 =	vor.u32 $0x3, v2;
	v9 =	vld.idx.msk [tilespmem:v11+s22+$0x0], $0xffff;
	[tilespmem:v13+s26+$0x0] =	vst.idx.msk $0xffff, v12  }
0x91: {  	v11 =	vor.u32 $0x4, v4;
	v13 =	vor.u32 $0x4, v7;
	v12 =	vld.idx.msk [tilespmem:v16+s22+$0x0], $0xffff  }
0x92: {  	s0 =	simm.s32 $0x660;
	v16 =	vor.u32 $0x5, v8  }
0x93: {  	v21 =	vld [tilespmem:s0+$0x0];
	[tilespmem:v15+s26+$0x0] =	vst.idx.msk $0xffff, v14  }
0x94: {  	v15 =	vor.u32 $0x4, v3;
	v14 =	vld.idx.msk [tilespmem:v17+s22+$0x0], $0xffff;
	[tilespmem:v19+s26+$0x0] =	vst.idx.msk $0xffff, v18  }
0x95: {  	v17 =	vor.u32 $0x5, v1;
	v18 =	vld.idx.msk [tilespmem:v20+s22+$0x0], $0xffff;
	[tilespmem:v10+s26+$0x0] =	vst.idx.msk $0xffff, v9  }
0x96: {  	v19 =	vor.u32 $0x4, v5;
	v9 =	vld.idx.msk [tilespmem:v11+s22+$0x0], $0xffff;
	[tilespmem:v13+s26+$0x0] =	vst.idx.msk $0xffff, v12  }
0x97: {  	s1 =	simm.s32 $0x860;
	v11 =	vor.u32 $0x5, v7;
	v10 =	vld.idx.msk [tilespmem:v16+s22+$0x0], $0xffff  }
0x98: {  	v22 =	vld [tilespmem:s1+$0x10];
	v13 =	vor.u32 $0x6, v8  }
0x99: {  	v28 =	vld [tilespmem:s1+$0xFFFFFFE0];
	v20 =	vor.u32 $0x5, v6;
	[tilespmem:v15+s26+$0x0] =	vst.idx.msk $0xffff, v14  }
0x9a: {  	v12 =	vld.idx.msk [tilespmem:v17+s22+$0x0], $0xffff;
	v17 =	vor.u32 $0x4, v2  }
0x9b: {  	v15 =	vld [tilespmem:s0+$0x10];
	[tilespmem:v19+s26+$0x0] =	vst.idx.msk $0xffff, v18  }
0x9c: {  	v18 =	vld [tilespmem:s0+$0xFFFFFFE0];
	[tilespmem:v11+s26+$0x0] =	vst.idx.msk $0xffff, v10;
	v10 =	vor.u32 $0x5, v4  }
0x9d: {  	v11 =	vld.idx.msk [tilespmem:v13+s22+$0x0], $0xffff;
	v13 =	vor.u32 $0x6, v7  }
0x9e: {  	v23 =	vor.u32 $0x5, v3;
	v14 =	vld.idx.msk [tilespmem:v20+s22+$0x0], $0xffff;
	v20 =	vor.u32 $0x7, v8  }
0x9f: {  	v19 =	vld [tilespmem:s0+$0xFFFFFFF0];
	[tilespmem:v17+s26+$0x0] =	vst.idx.msk $0xffff, v9;
	v17 =	vor.u32 $0x5, v5  }
0xa0: {  	v24 =	vor.u32 $0x6, v1;
	v9 =	vld [tilespmem:s1+$0x0]  }
0xa1: {  	v25 =	vld.idx.msk [tilespmem:v10+s22+$0x0], $0xffff;
	v10 =	vmul.u32 $0x18, v15  }
0xa2: {  	v27 =	vor.u32 $0x5, v2;
	v16 =	vld [tilespmem:s1+$0xFFFFFFF0];
	v15 =	vor.u32 $0x7, v7;
	[tilespmem:v13+s26+$0x0] =	vst.idx.msk $0xffff, v11;
	v13 =	vor.u32 $0x6, v6  }
0xa3: {  	[tilespmem:v23+s26+$0x0] =	vst.idx.msk $0xffff, v12;
	v11 =	vmul.u32 $0x18, v21;
	v20 =	vld.idx.msk [tilespmem:v20+s22+$0x0], $0xffff;
	v10 =	vadd.s32 v22, v10;
	v22 =	vor.u32 $0x6, v4  }
0xa4: {  	v26 =	vor.u32 $0x8, v8;
	v12 =	vmul.u32 $0x18, v19;
	[tilespmem:v17+s26+$0x0] =	vst.idx.msk $0xffff, v14;
	v14 =	vmul.u32 $0x18, v18  }
0xa5: {  	v19 =	vld.idx.msk [tilespmem:v24+s22+$0x0], $0xffff;
	v21 =	vor.u32 $0x6, v3;
	v10 =	vshll.u32 v10, $0x4;
	v9 =	vadd.s32 v9, v11  }
0xa6: {  	v17 =	vor.u32 $0x6, v5;
	v18 =	vor.u32 $0x7, v1;
	v11 =	vshll.u32 v9, $0x4  }
0xa7: {  	s17 =	simm.s32 $0x70;
	v9 =	vadd.s32 v16, v12;
	v12 =	vadd.s32 v28, v14;
	[tilespmem:v27+s26+$0x0] =	vst.idx.msk $0xffff, v25;
	v13 =	vld.idx.msk [tilespmem:v13+s22+$0x0], $0xffff  }
0xa8: {  	s18 =	simm.s32 $0x60;
	v14 =	vshll.u32 v12, $0x4;
	[tilespmem:v15+s26+$0x0] =	vst.idx.msk $0xffff, v20;
	v15 =	vshll.u32 v9, $0x4;
	v9 =	vmov s17;
	v22 =	vld.idx.msk [tilespmem:v22+s22+$0x0], $0xffff  }
0xa9: {  	v23 =	vmov s18;
	v16 =	vor.u32 $0x8, v7;
	v20 =	vld.idx.msk [tilespmem:v26+s22+$0x0], $0xffff;
	v9 =	vshll.u32 v9, $0x4  }
0xaa: {  	[tilespmem:v21+s26+$0x0] =	vst.idx.msk $0xffff, v19;
	v24 =	vld.idx.msk [tilespmem:v10+s22+$0x0], $0xffff;
	v12 =	vor.u32 v0, v9;
	v9 =	vshll.u32 v23, $0x4;
	v23 =	vor.u32 $0x7, v6  }
0xab: {  	v28 =	vor.u32 $0x7, v4;
	v19 =	vor.u32 $0x6, v2;
	v21 =	vor.u32 $0x1, v10;
	s17 =	simm.s32 $0x50;
	v18 =	vld.idx.msk [tilespmem:v18+s22+$0x0], $0xffff  }
0xac: {  	s16 =	simm.s32 $0x40;
	v26 =	vor.u32 $0x9, v8;
	v27 =	vmov s17;
	v25 =	vld.idx.msk [tilespmem:v11+s22+$0x0], $0xffff;
	v9 =	vor.u32 v0, v9  }
0xad: {  	v27 =	vshll.u32 v27, $0x4;
	v30 =	vld.idx.msk [tilespmem:v14+s22+$0x0], $0xffff;
	[tilespmem:v17+s26+$0x0] =	vst.idx.msk $0xffff, v13;
	v17 =	vor.u32 $0x7, v3;
	v13 =	vmov s16  }
0xae: {  	v29 =	vld.idx.msk [tilespmem:v15+s22+$0x0], $0xffff;
	v13 =	vshll.u32 v13, $0x4;
	[tilespmem:v16+s26+$0x0] =	vst.idx.msk $0xffff, v20;
	v20 =	vor.u32 $0x1, v11;
	v16 =	vor.u32 v0, v27  }
0xaf: {  	v27 =	vor.u32 $0x1, v15;
	v13 =	vor.u32 v0, v13;
	[tilespmem:v12+s26+$0x0] =	vst.idx.msk $0xffff, v24;
	v23 =	vld.idx.msk [tilespmem:v23+s22+$0x0], $0xffff  }
0xb0: {  	[tilespmem:v19+s26+$0x0] =	vst.idx.msk $0xffff, v22;
	v24 =	vor.u32 $0x1, v14;
	v19 =	vld.idx.msk [tilespmem:v21+s22+$0x0], $0xffff;
	v21 =	vor.u32 $0x7, v5  }
0xb1: {  	v22 =	vor.u32 $0x1, v12;
	[tilespmem:v9+s26+$0x0] =	vst.idx.msk $0xffff, v25;
	v25 =	vld.idx.msk [tilespmem:v28+s22+$0x0], $0xffff;
	v28 =	vor.u32 $0x8, v1  }
0xb2: {  	[tilespmem:v17+s26+$0x0] =	vst.idx.msk $0xffff, v18;
	v17 =	vor.u32 $0x7, v2;
	v18 =	vld.idx.msk [tilespmem:v26+s22+$0x0], $0xffff;
	v26 =	vor.u32 $0x8, v6  }
0xb3: {  	v31 =	vor.u32 $0x9, v7;
	[tilespmem:v16+s26+$0x0] =	vst.idx.msk $0xffff, v29;
	v20 =	vld.idx.msk [tilespmem:v20+s22+$0x0], $0xffff;
	v29 =	vor.u32 $0x8, v4  }
0xb4: {  	v32 =	vor.u32 $0xA, v8;
	[tilespmem:v13+s26+$0x0] =	vst.idx.msk $0xffff, v30;
	v30 =	vor.u32 $0x1, v9;
	v27 =	vld.idx.msk [tilespmem:v27+s22+$0x0], $0xffff  }
0xb5: {  	v33 =	vor.u32 $0x2, v11;
	v34 =	vor.u32 $0x1, v16;
	v24 =	vld.idx.msk [tilespmem:v24+s22+$0x0], $0xffff;
	[tilespmem:v21+s26+$0x0] =	vst.idx.msk $0xffff, v23  }
0xb6: {  	v21 =	vor.u32 $0x2, v15;
	v23 =	vor.u32 $0x1, v13;
	[tilespmem:v22+s26+$0x0] =	vst.idx.msk $0xffff, v19;
	v19 =	vld.idx.msk [tilespmem:v28+s22+$0x0], $0xffff  }
0xb7: {  	v22 =	vor.u32 $0x2, v10;
	[tilespmem:v17+s26+$0x0] =	vst.idx.msk $0xffff, v25;
	v17 =	vor.u32 $0x8, v3;
	v25 =	vld.idx.msk [tilespmem:v26+s22+$0x0], $0xffff  }
0xb8: {  	v26 =	vor.u32 $0x2, v14;
	[tilespmem:v31+s26+$0x0] =	vst.idx.msk $0xffff, v18;
	v18 =	vor.u32 $0x8, v5;
	v28 =	vld.idx.msk [tilespmem:v29+s22+$0x0], $0xffff  }
0xb9: {  	[tilespmem:v30+s26+$0x0] =	vst.idx.msk $0xffff, v20;
	v20 =	vor.u32 $0x8, v2;
	v29 =	vld.idx.msk [tilespmem:v32+s22+$0x0], $0xffff;
	v30 =	vor.u32 $0x9, v6  }
0xba: {  	v55 =	vor.u32 $0xA, v7;
	v31 =	vor.u32 $0x9, v4;
	[tilespmem:v34+s26+$0x0] =	vst.idx.msk $0xffff, v27;
	v27 =	vld.idx.msk [tilespmem:v33+s22+$0x0], $0xffff  }
0xbb: {  	[tilespmem:v23+s26+$0x0] =	vst.idx.msk $0xffff, v24;
	v21 =	vld.idx.msk [tilespmem:v21+s22+$0x0], $0xffff;
	v23 =	vor.u32 $0x2, v9;
	v24 =	vor.u32 $0xB, v8  }
0xbc: {  	v57 =	vor.u32 $0x3, v11;
	v56 =	vor.u32 $0x2, v16;
	v22 =	vld.idx.msk [tilespmem:v22+s22+$0x0], $0xffff;
	[tilespmem:v17+s26+$0x0] =	vst.idx.msk $0xffff, v19  }
0xbd: {  	v17 =	vld.idx.msk [tilespmem:v26+s22+$0x0], $0xffff;
	v19 =	vor.u32 $0x3, v15;
	v26 =	vor.u32 $0x2, v12;
	[tilespmem:v18+s26+$0x0] =	vst.idx.msk $0xffff, v25  }
0xbe: {  	v18 =	vor.u32 $0x2, v13;
	[tilespmem:v20+s26+$0x0] =	vst.idx.msk $0xffff, v28;
	v20 =	vor.u32 $0x9, v1;
	v25 =	vld.idx.msk [tilespmem:v30+s22+$0x0], $0xffff  }
0xbf: {  	v28 =	vor.u32 $0x3, v10;
	[tilespmem:v55+s26+$0x0] =	vst.idx.msk $0xffff, v29;
	v29 =	vor.u32 $0x9, v5;
	v30 =	vld.idx.msk [tilespmem:v31+s22+$0x0], $0xffff  }
0xc0: {  	v31 =	vor.u32 $0x3, v14;
	[tilespmem:v23+s26+$0x0] =	vst.idx.msk $0xffff, v27;
	v23 =	vor.u32 $0x9, v2;
	v24 =	vld.idx.msk [tilespmem:v24+s22+$0x0], $0xffff  }
0xc1: {  	v58 =	vor.u32 $0xB, v7;
	[tilespmem:v56+s26+$0x0] =	vst.idx.msk $0xffff, v21;
	v27 =	vor.u32 $0xA, v4;
	v21 =	vld.idx.msk [tilespmem:v57+s22+$0x0], $0xffff  }
0xc2: {  	v59 =	vor.u32 $0x3, v9;
	v19 =	vld.idx.msk [tilespmem:v19+s22+$0x0], $0xffff;
	[tilespmem:v26+s26+$0x0] =	vst.idx.msk $0xffff, v22;
	v22 =	vor.u32 $0xC, v8  }
0xc3: {  	[tilespmem:v18+s26+$0x0] =	vst.idx.msk $0xffff, v17;
	v17 =	vor.u32 $0x3, v16;
	v18 =	vor.u32 $0x4, v11;
	v20 =	vld.idx.msk [tilespmem:v20+s22+$0x0], $0xffff  }
0xc4: {  	v60 =	vor.u32 $0x9, v3;
	v28 =	vld.idx.msk [tilespmem:v28+s22+$0x0], $0xffff;
	[tilespmem:v29+s26+$0x0] =	vst.idx.msk $0xffff, v25  }
0xc5: {  	v26 =	vor.u32 $0x4, v15;
	v29 =	vor.u32 $0x3, v12;
	v25 =	vld.idx.msk [tilespmem:v31+s22+$0x0], $0xffff;
	[tilespmem:v23+s26+$0x0] =	vst.idx.msk $0xffff, v30  }
0xc6: {  	v31 =	vor.u32 $0x4, v10;
	v30 =	vor.u32 $0x3, v13;
	[tilespmem:v58+s26+$0x0] =	vst.idx.msk $0xffff, v24;
	v27 =	vld.idx.msk [tilespmem:v27+s22+$0x0], $0xffff  }
0xc7: {  	v23 =	vor.u32 $0xA, v6;
	[tilespmem:v59+s26+$0x0] =	vst.idx.msk $0xffff, v21;
	v21 =	vor.u32 $0xA, v2;
	v22 =	vld.idx.msk [tilespmem:v22+s22+$0x0], $0xffff  }
0xc8: {  	v24 =	vor.u32 $0x4, v14;
	[tilespmem:v17+s26+$0x0] =	vst.idx.msk $0xffff, v19;
	v17 =	vld.idx.msk [tilespmem:v18+s22+$0x0], $0xffff;
	v18 =	vor.u32 $0xC, v7  }
0xc9: {  	v61 =	vor.u32 $0x4, v9;
	v19 =	vor.u32 $0xA, v1;
	[tilespmem:v60+s26+$0x0] =	vst.idx.msk $0xffff, v20  }
0xca: {  	v62 =	vor.u32 $0xD, v8;
	v26 =	vld.idx.msk [tilespmem:v26+s22+$0x0], $0xffff;
	v20 =	vor.u32 $0x4, v16;
	[tilespmem:v29+s26+$0x0] =	vst.idx.msk $0xffff, v28  }
0xcb: {  	v63 =	vor.u32 $0x5, v11;
	v29 =	vld.idx.msk [tilespmem:v31+s22+$0x0], $0xffff;
	[tilespmem:v30+s26+$0x0] =	vst.idx.msk $0xffff, v25  }
0xcc: {  	v35 =	vor.u32 $0x4, v12;
	v28 =	vld.idx.msk [tilespmem:v23+s22+$0x0], $0xffff;
	v25 =	vor.u32 $0x5, v15;
	[tilespmem:v21+s26+$0x0] =	vst.idx.msk $0xffff, v27  }
0xcd: {  	v37 =	vor.u32 $0x5, v10;
	v30 =	vor.u32 $0xA, v5;
	v31 =	vld.idx.msk [tilespmem:v24+s22+$0x0], $0xffff;
	[tilespmem:v18+s26+$0x0] =	vst.idx.msk $0xffff, v22  }
0xce: {  	v36 =	vor.u32 $0x4, v13;
	v21 =	vor.u32 $0xB, v6;
	v23 =	vld.idx.msk [tilespmem:v19+s22+$0x0], $0xffff;
	[tilespmem:v61+s26+$0x0] =	vst.idx.msk $0xffff, v17  }
0xcf: {  	v19 =	vor.u32 $0xB, v4;
	v18 =	vld.idx.msk [tilespmem:v62+s22+$0x0], $0xffff;
	[tilespmem:v20+s26+$0x0] =	vst.idx.msk $0xffff, v26;
	v26 =	vor.u32 $0xA, v3  }
0xd0: {  	v24 =	vor.u32 $0xD, v7;
	v27 =	vld.idx.msk [tilespmem:v63+s22+$0x0], $0xffff;
	v20 =	vor.u32 $0xB, v1  }
0xd1: {  	[tilespmem:v35+s26+$0x0] =	vst.idx.msk $0xffff, v29;
	v29 =	vor.u32 $0x5, v9;
	v22 =	vld.idx.msk [tilespmem:v25+s22+$0x0], $0xffff  }
0xd2: {  	[tilespmem:v30+s26+$0x0] =	vst.idx.msk $0xffff, v28;
	v28 =	vor.u32 $0x6, v11;
	v30 =	vld.idx.msk [tilespmem:v37+s22+$0x0], $0xffff  }
0xd3: {  	s17 =	simm.s32 $0x4;
	v17 =	vor.u32 $0x5, v12;
	v25 =	vor.u32 $0xB, v5;
	v21 =	vld.idx.msk [tilespmem:v21+s22+$0x0], $0xffff;
	[tilespmem:v36+s26+$0x0] =	vst.idx.msk $0xffff, v31  }
.LBB2_2:
0xd4: {  	s17 =	sadd.s32 $0x4, s17;
	s0 =	sadd.s32 $0x40, s0;
	s1 =	sadd.s32 $0x40, s1;
	v19 =	vld.idx.msk [tilespmem:v19+s22+$0x0], $0xffff;
	[tilespmem:v26+s26+$0x0] =	vst.idx.msk $0xffff, v23  }
0xd5: {  	v23 =	vor.u32 $0xB, v2;
	p0 =	slt.u32 s17, $0x1C;
	[tilespmem:v24+s26+$0x0] =	vst.idx.msk $0xffff, v18;
	v18 =	vld.idx.msk [tilespmem:v20+s22+$0x0], $0xffff;
	v20 =	vor.u32 $0xC, v6  }
0xd6: {  	v26 =	vor.u32 $0xB, v3;
	v24 =	vld [tilespmem:s0+$0x10];
	[tilespmem:v29+s26+$0x0] =	vst.idx.msk $0xffff, v27  }
0xd7: {  	v27 =	vld.idx.msk [tilespmem:v28+s22+$0x0], $0xffff  }
0xd8: {  	v31 =	vor.u32 $0xC, v1;
	v29 =	vor.u32 $0x6, v9;
	v28 =	vld [tilespmem:s1+$0xFFFFFFF0];
	[tilespmem:v25+s26+$0x0] =	vst.idx.msk $0xffff, v21  }
0xd9: {  	v25 =	vor.u32 $0x5, v16;
	v21 =	vld [tilespmem:s0+$0xFFFFFFE0];
	[tilespmem:v17+s26+$0x0] =	vst.idx.msk $0xffff, v30;
	v17 =	vor.u32 $0x6, v10  }
0xda: {  	v30 =	vor.u32 $0x6, v15;
	[tilespmem:v23+s26+$0x0] =	vst.idx.msk $0xffff, v19;
	v19 =	vor.u32 $0xC, v4;
	v20 =	vld.idx.msk [tilespmem:v20+s22+$0x0], $0xffff  }
0xdb: {  	v23 =	vld [tilespmem:s0+$0xFFFFFFF0];
	[tilespmem:v26+s26+$0x0] =	vst.idx.msk $0xffff, v18;
	v18 =	vor.u32 $0xC, v5  }
0xdc: {  	v32 =	vor.u32 $0xD, v6;
	v26 =	vld [tilespmem:s0+$0x0]  }
0xdd: {  	v33 =	vor.u32 $0x5, v14;
	[tilespmem:v29+s26+$0x0] =	vst.idx.msk $0xffff, v27;
	v27 =	vld.idx.msk [tilespmem:v31+s22+$0x0], $0xffff  }
0xde: {  	[tilespmem:v25+s26+$0x0] =	vst.idx.msk $0xffff, v22;
	v17 =	vld.idx.msk [tilespmem:v17+s22+$0x0], $0xffff;
	v22 =	vor.u32 $0xC, v3  }
0xdf: {  	v29 =	vor.u32 $0xD, v1;
	v25 =	vld.idx.msk [tilespmem:v30+s22+$0x0], $0xffff  }
0xe0: {  	v34 =	vor.u32 $0xE, v8;
	v31 =	vor.u32 $0xC, v2;
	v30 =	vor.u32 $0x6, v16;
	v19 =	vld.idx.msk [tilespmem:v19+s22+$0x0], $0xffff;
	[tilespmem:v18+s26+$0x0] =	vst.idx.msk $0xffff, v20  }
0xe1: {  	v18 =	vor.u32 $0x7, v15;
	v20 =	vor.u32 $0xD, v4;
	v32 =	vld.idx.msk [tilespmem:v32+s22+$0x0], $0xffff  }
0xe2: {  	v33 =	vld.idx.msk [tilespmem:v33+s22+$0x0], $0xffff  }
0xe3: {  	v35 =	vld [tilespmem:s1+$0x10];
	[tilespmem:v22+s26+$0x0] =	vst.idx.msk $0xffff, v27;
	v22 =	vor.u32 $0xD, v5  }
0xe4: {  	v27 =	vld.idx.msk [tilespmem:v29+s22+$0x0], $0xffff;
	v29 =	vor.u32 $0xE, v6  }
0xe5: {  	v36 =	vor.u32 $0xF, v5;
	[tilespmem:v30+s26+$0x0] =	vst.idx.msk $0xffff, v25;
	v25 =	vld.idx.msk [tilespmem:v34+s22+$0x0], $0xffff;
	v30 =	vor.u32 $0xD, v3;
	v34 =	vor.u32 $0xF, v6;
	v6 =	vmovc v10  }
0xe6: {  	v37 =	vor.u32 $0xE, v1;
	v18 =	vld.idx.msk [tilespmem:v18+s22+$0x0], $0xffff;
	[tilespmem:v31+s26+$0x0] =	vst.idx.msk $0xffff, v19;
	v19 =	vor.u32 $0xE, v7;
	v31 =	vor.u32 $0xF, v8;
	v8 =	vmovc v15  }
0xe7: {  	v10 =	vmul.u32 $0x18, v24;
	v24 =	vor.u32 $0xD, v2;
	v15 =	vor.u32 $0x7, v16;
	v20 =	vld.idx.msk [tilespmem:v20+s22+$0x0], $0xffff  }
0xe8: {  	v40 =	vor.u32 $0xE, v4;
	v41 =	vor.u32 $0xF, v4;
	v4 =	vmovc v14;
	v39 =	vor.u32 $0x8, v8;
	v38 =	vld [tilespmem:s1+$0x0];
	[tilespmem:v22+s26+$0x0] =	vst.idx.msk $0xffff, v32  }
0xe9: {  	v14 =	vor.u32 $0x5, v13;
	v10 =	vadd.s32 v35, v10;
	v22 =	vor.u32 $0xF, v1;
	v1 =	vmovc v11;
	v29 =	vld.idx.msk [tilespmem:v29+s22+$0x0], $0xffff  }
0xea: {  	v35 =	vor.u32 $0x6, v4;
	v10 =	vshll.u32 v10, $0x4;
	v32 =	vld [tilespmem:s1+$0xFFFFFFE0];
	[tilespmem:v30+s26+$0x0] =	vst.idx.msk $0xffff, v27;
	v27 =	vor.u32 $0xE, v5;
	v5 =	vmovc v12  }
0xeb: {  	v11 =	vmul.u32 $0x18, v26;
	v12 =	vor.u32 $0x6, v5;
	[tilespmem:v19+s26+$0x0] =	vst.idx.msk $0xffff, v25;
	v19 =	vld.idx.msk [tilespmem:v37+s22+$0x0], $0xffff;
	v25 =	vor.u32 $0xE, v3  }
0xec: {  	s16 =	sadd.s32 $0x40, s16;
	v23 =	vmul.u32 $0x18, v23;
	v30 =	vor.u32 $0xF, v7;
	v7 =	vmovc v16;
	[tilespmem:v15+s26+$0x0] =	vst.idx.msk $0xffff, v18;
	v18 =	vor.u32 $0xE, v2;
	v26 =	vld.idx.msk [tilespmem:v31+s22+$0x0], $0xffff  }
0xed: {  	v15 =	vmul.u32 $0x18, v21;
	v21 =	vor.u32 $0x7, v1;
	v11 =	vadd.s32 v38, v11;
	v16 =	vld.idx.msk [tilespmem:v39+s22+$0x0], $0xffff;
	[tilespmem:v24+s26+$0x0] =	vst.idx.msk $0xffff, v20  }
0xee: {  	s18 =	sadd.s32 $0x30, s16;
	v20 =	vadd.s32 v28, v23;
	v23 =	vor.u32 $0x8, v7;
	v11 =	vshll.u32 v11, $0x4;
	[tilespmem:v14+s26+$0x0] =	vst.idx.msk $0xffff, v33;
	v24 =	vld.idx.msk [tilespmem:v40+s22+$0x0], $0xffff  }
0xef: {  	v14 =	vadd.s32 v32, v15;
	v15 =	vshll.u32 v20, $0x4;
	v20 =	vmov s18;
	v28 =	vld.idx.msk [tilespmem:v35+s22+$0x0], $0xffff;
	[tilespmem:v27+s26+$0x0] =	vst.idx.msk $0xffff, v29  }
0xf0: {  	v29 =	vor.u32 $0x6, v13;
	v14 =	vshll.u32 v14, $0x4;
	v20 =	vshll.u32 v20, $0x4;
	v27 =	vld.idx.msk [tilespmem:v10+s22+$0x0], $0xffff;
	[tilespmem:v12+s26+$0x0] =	vst.idx.msk $0xffff, v17  }
0xf1: {  	s18 =	sadd.s32 $0x20, s16;
	v31 =	vor.u32 $0x1, v14;
	v12 =	vor.u32 v0, v20;
	[tilespmem:v25+s26+$0x0] =	vst.idx.msk $0xffff, v19;
	v19 =	vor.u32 $0xF, v3;
	v20 =	vld.idx.msk [tilespmem:v34+s22+$0x0], $0xffff  }
0xf2: {  	v32 =	vor.u32 $0x1, v10;
	v25 =	vmov s18;
	v3 =	vmovc v9;
	v17 =	vor.u32 $0x5, v12;
	[tilespmem:v30+s26+$0x0] =	vst.idx.msk $0xffff, v26;
	v22 =	vld.idx.msk [tilespmem:v22+s22+$0x0], $0xffff  }
0xf3: {  	v9 =	vshll.u32 v25, $0x4;
	v26 =	vor.u32 $0xF, v2;
	v2 =	vmovc v13;
	v25 =	vld.idx.msk [tilespmem:v11+s22+$0x0], $0xffff;
	[tilespmem:v23+s26+$0x0] =	vst.idx.msk $0xffff, v16;
	v23 =	vor.u32 $0x7, v6  }
0xf4: {  	s18 =	sadd.s32 $0x10, s16;
	v30 =	vor.u32 $0x9, v8;
	v33 =	vor.u32 $0x7, v3;
	v9 =	vor.u32 v0, v9;
	v21 =	vld.idx.msk [tilespmem:v21+s22+$0x0], $0xffff;
	[tilespmem:v18+s26+$0x0] =	vst.idx.msk $0xffff, v24  }
0xf5: {  	v13 =	vmov s18;
	v18 =	vor.u32 $0x1, v11;
	v24 =	vor.u32 $0x7, v4;
	[tilespmem:v29+s26+$0x0] =	vst.idx.msk $0xffff, v28;
	v28 =	vld.idx.msk [tilespmem:v41+s22+$0x0], $0xffff  }
0xf6: {  	v34 =	vor.u32 $0x1, v15;
	v16 =	vmov s16;
	v13 =	vshll.u32 v13, $0x4;
	v29 =	vld.idx.msk [tilespmem:v15+s22+$0x0], $0xffff;
	[tilespmem:v12+s26+$0x0] =	vst.idx.msk $0xffff, v27  }
0xf7: {  	v27 =	vshll.u32 v16, $0x4;
	v16 =	vor.u32 v0, v13;
	v35 =	vld.idx.msk [tilespmem:v14+s22+$0x0], $0xffff;
	[tilespmem:v36+s26+$0x0] =	vst.idx.msk $0xffff, v20  }
0xf8: {  	v13 =	vor.u32 v0, v27;
	v20 =	vld.idx.msk [tilespmem:v23+s22+$0x0], $0xffff;
	[tilespmem:v19+s26+$0x0] =	vst.idx.msk $0xffff, v22  }
0xf9: {  	v22 =	vor.u32 $0x7, v5;
	[tilespmem:v9+s26+$0x0] =	vst.idx.msk $0xffff, v25;
	v19 =	vld.idx.msk [tilespmem:v32+s22+$0x0], $0xffff  }
0xfa: {  	v23 =	vor.u32 $0x1, v12;
	v24 =	vld.idx.msk [tilespmem:v24+s22+$0x0], $0xffff;
	[tilespmem:v33+s26+$0x0] =	vst.idx.msk $0xffff, v21;
	v21 =	vor.u32 $0x8, v1  }
0xfb: {  	v25 =	vor.u32 $0x7, v2;
	v27 =	vld.idx.msk [tilespmem:v30+s22+$0x0], $0xffff;
	v30 =	vor.u32 $0x8, v6;
	[tilespmem:v26+s26+$0x0] =	vst.idx.msk $0xffff, v28  }
0xfc: {  	v26 =	vor.u32 $0x2, v11;
	v28 =	vor.u32 $0x8, v4;
	[tilespmem:v16+s26+$0x0] =	vst.idx.msk $0xffff, v29;
	v18 =	vld.idx.msk [tilespmem:v18+s22+$0x0], $0xffff;
	v29 =	vor.u32 $0x9, v7  }
0xfd: {  	v33 =	vor.u32 $0x2, v15;
	[tilespmem:v13+s26+$0x0] =	vst.idx.msk $0xffff, v35;
	v32 =	vld.idx.msk [tilespmem:v34+s22+$0x0], $0xffff;
	v34 =	vor.u32 $0x1, v9;
	v35 =	vor.u32 $0xA, v8  }
0xfe: {  	v36 =	vor.u32 $0x2, v14;
	v37 =	vor.u32 $0x1, v16;
	v31 =	vld.idx.msk [tilespmem:v31+s22+$0x0], $0xffff;
	[tilespmem:v22+s26+$0x0] =	vst.idx.msk $0xffff, v20  }
0xff: {  	v20 =	vor.u32 $0x1, v13;
	[tilespmem:v23+s26+$0x0] =	vst.idx.msk $0xffff, v19;
	v19 =	vld.idx.msk [tilespmem:v21+s22+$0x0], $0xffff  }
0x100: {  	v22 =	vor.u32 $0x8, v3;
	v21 =	vor.u32 $0x2, v10;
	[tilespmem:v25+s26+$0x0] =	vst.idx.msk $0xffff, v24;
	v23 =	vld.idx.msk [tilespmem:v30+s22+$0x0], $0xffff  }
0x101: {  	v25 =	vor.u32 $0x8, v5;
	v24 =	vld.idx.msk [tilespmem:v28+s22+$0x0], $0xffff;
	[tilespmem:v29+s26+$0x0] =	vst.idx.msk $0xffff, v27  }
0x102: {  	v28 =	vor.u32 $0x9, v6;
	[tilespmem:v34+s26+$0x0] =	vst.idx.msk $0xffff, v18;
	v18 =	vor.u32 $0x8, v2;
	v27 =	vld.idx.msk [tilespmem:v35+s22+$0x0], $0xffff  }
0x103: {  	v30 =	vor.u32 $0xA, v7;
	v29 =	vor.u32 $0x9, v4;
	[tilespmem:v37+s26+$0x0] =	vst.idx.msk $0xffff, v32;
	v26 =	vld.idx.msk [tilespmem:v26+s22+$0x0], $0xffff  }
0x104: {  	v32 =	vor.u32 $0xB, v8;
	[tilespmem:v20+s26+$0x0] =	vst.idx.msk $0xffff, v31;
	v20 =	vld.idx.msk [tilespmem:v33+s22+$0x0], $0xffff;
	v31 =	vor.u32 $0x2, v9  }
0x105: {  	v34 =	vor.u32 $0x3, v11;
	v33 =	vor.u32 $0x2, v16;
	v21 =	vld.idx.msk [tilespmem:v21+s22+$0x0], $0xffff;
	[tilespmem:v22+s26+$0x0] =	vst.idx.msk $0xffff, v19  }
0x106: {  	v35 =	vor.u32 $0x2, v12;
	v22 =	vor.u32 $0x3, v15;
	v19 =	vld.idx.msk [tilespmem:v36+s22+$0x0], $0xffff;
	[tilespmem:v25+s26+$0x0] =	vst.idx.msk $0xffff, v23  }
0x107: {  	v23 =	vor.u32 $0x2, v13;
	[tilespmem:v18+s26+$0x0] =	vst.idx.msk $0xffff, v24;
	v18 =	vor.u32 $0x9, v1;
	v24 =	vld.idx.msk [tilespmem:v28+s22+$0x0], $0xffff  }
0x108: {  	v25 =	vor.u32 $0x3, v10;
	v28 =	vld.idx.msk [tilespmem:v29+s22+$0x0], $0xffff;
	[tilespmem:v30+s26+$0x0] =	vst.idx.msk $0xffff, v27;
	v27 =	vor.u32 $0x9, v5  }
0x109: {  	v29 =	vor.u32 $0x3, v14;
	[tilespmem:v31+s26+$0x0] =	vst.idx.msk $0xffff, v26;
	v26 =	vor.u32 $0x9, v2;
	v30 =	vld.idx.msk [tilespmem:v32+s22+$0x0], $0xffff  }
0x10a: {  	v31 =	vor.u32 $0xA, v4;
	v32 =	vor.u32 $0xB, v7;
	[tilespmem:v33+s26+$0x0] =	vst.idx.msk $0xffff, v20;
	v20 =	vld.idx.msk [tilespmem:v34+s22+$0x0], $0xffff  }
0x10b: {  	v33 =	vor.u32 $0x3, v9;
	v22 =	vld.idx.msk [tilespmem:v22+s22+$0x0], $0xffff;
	[tilespmem:v35+s26+$0x0] =	vst.idx.msk $0xffff, v21;
	v21 =	vor.u32 $0xC, v8  }
0x10c: {  	[tilespmem:v23+s26+$0x0] =	vst.idx.msk $0xffff, v19;
	v19 =	vor.u32 $0x3, v16;
	v23 =	vor.u32 $0x4, v11;
	v18 =	vld.idx.msk [tilespmem:v18+s22+$0x0], $0xffff  }
0x10d: {  	v34 =	vor.u32 $0x4, v15;
	v35 =	vor.u32 $0x9, v3;
	v25 =	vld.idx.msk [tilespmem:v25+s22+$0x0], $0xffff;
	[tilespmem:v27+s26+$0x0] =	vst.idx.msk $0xffff, v24  }
0x10e: {  	v27 =	vor.u32 $0x3, v12;
	v24 =	vld.idx.msk [tilespmem:v29+s22+$0x0], $0xffff;
	[tilespmem:v26+s26+$0x0] =	vst.idx.msk $0xffff, v28;
	v26 =	vor.u32 $0xA, v6  }
0x10f: {  	v28 =	vor.u32 $0x3, v13;
	v29 =	vor.u32 $0x4, v10;
	v31 =	vld.idx.msk [tilespmem:v31+s22+$0x0], $0xffff;
	[tilespmem:v32+s26+$0x0] =	vst.idx.msk $0xffff, v30  }
0x110: {  	v30 =	vor.u32 $0x4, v14;
	[tilespmem:v33+s26+$0x0] =	vst.idx.msk $0xffff, v20;
	v20 =	vor.u32 $0xA, v2;
	v21 =	vld.idx.msk [tilespmem:v21+s22+$0x0], $0xffff  }
0x111: {  	[tilespmem:v19+s26+$0x0] =	vst.idx.msk $0xffff, v22;
	v19 =	vld.idx.msk [tilespmem:v23+s22+$0x0], $0xffff;
	v22 =	vor.u32 $0xC, v7;
	v23 =	vor.u32 $0xA, v1  }
0x112: {  	v33 =	vor.u32 $0x4, v9;
	v32 =	vld.idx.msk [tilespmem:v34+s22+$0x0], $0xffff;
	v34 =	vor.u32 $0xD, v8;
	[tilespmem:v35+s26+$0x0] =	vst.idx.msk $0xffff, v18  }
0x113: {  	v36 =	vor.u32 $0x5, v11;
	v35 =	vor.u32 $0x4, v16;
	[tilespmem:v27+s26+$0x0] =	vst.idx.msk $0xffff, v25;
	v25 =	vld.idx.msk [tilespmem:v26+s22+$0x0], $0xffff  }
0x114: {  	v38 =	vor.u32 $0xA, v5;
	[tilespmem:v28+s26+$0x0] =	vst.idx.msk $0xffff, v24;
	v28 =	vor.u32 $0x5, v15;
	v37 =	vld.idx.msk [tilespmem:v29+s22+$0x0], $0xffff  }
0x115: {  	v39 =	vor.u32 $0x4, v12;
	v30 =	vld.idx.msk [tilespmem:v30+s22+$0x0], $0xffff;
	[tilespmem:v20+s26+$0x0] =	vst.idx.msk $0xffff, v31;
	v31 =	vor.u32 $0xB, v6  }
0x116: {  	v41 =	vor.u32 $0x5, v10;
	v40 =	vor.u32 $0x4, v13;
	[tilespmem:v22+s26+$0x0] =	vst.idx.msk $0xffff, v21;
	v23 =	vld.idx.msk [tilespmem:v23+s22+$0x0], $0xffff  }
.Ltmp0:
0x117: {  	v26 =	vor.u32 $0xA, v3;
	[tilespmem:v33+s26+$0x0] =	vst.idx.msk $0xffff, v19;
	v19 =	vor.u32 $0xB, v4;
	v18 =	vld.idx.msk [tilespmem:v34+s22+$0x0], $0xffff;
	(pc) =	sbr.rel @p0 .LBB2_2-.Ltmp0, $4  }
0x118: {  	v24 =	vor.u32 $0xD, v7;
	v20 =	vor.u32 $0xB, v1;
	[tilespmem:v35+s26+$0x0] =	vst.idx.msk $0xffff, v32;
	v27 =	vld.idx.msk [tilespmem:v36+s22+$0x0], $0xffff  }
0x119: {  	v29 =	vor.u32 $0x5, v9;
	v22 =	vld.idx.msk [tilespmem:v28+s22+$0x0], $0xffff;
	[tilespmem:v38+s26+$0x0] =	vst.idx.msk $0xffff, v25  }
0x11a: {  	v28 =	vor.u32 $0x6, v11;
	[tilespmem:v39+s26+$0x0] =	vst.idx.msk $0xffff, v37;
	v21 =	vld.idx.msk [tilespmem:v31+s22+$0x0], $0xffff  }
0x11b: {  	v25 =	vor.u32 $0xB, v5;
	[tilespmem:v40+s26+$0x0] =	vst.idx.msk $0xffff, v30;
	v30 =	vld.idx.msk [tilespmem:v41+s22+$0x0], $0xffff  }
0x11c: {  	v31 =	vor.u32 $0x5, v14;
	_ =	sdelay $0x3  }
0x11d: {  	v32 =	vor.u32 $0x5, v16;
	v34 =	vor.u32 $0x6, v10  }
0x11e: {  	v33 =	vor.u32 $0x6, v15;
	v35 =	vor.u32 $0x5, v13;
	v31 =	vld.idx.msk [tilespmem:v31+s22+$0x0], $0xffff  }
0x11f: {  	v36 =	vor.u32 $0x6, v14  }
0x120: {  	[tilespmem:v29+s26+$0x0] =	vst.idx.msk $0xffff, v27  }
0x121: {  	v58 =	vor.u32 $0x6, v9;
	v28 =	vld.idx.msk [tilespmem:v28+s22+$0x0], $0xffff;
	[tilespmem:v17+s26+$0x0] =	vst.idx.msk $0xffff, v30  }
0x122: {  	v57 =	vor.u32 $0x6, v12;
	v60 =	vor.u32 $0x7, v11;
	[tilespmem:v32+s26+$0x0] =	vst.idx.msk $0xffff, v22;
	v55 =	vld.idx.msk [tilespmem:v34+s22+$0x0], $0xffff  }
0x123: {  	v54 =	vor.u32 $0x6, v16;
	v59 =	vor.u32 $0x7, v10;
	v53 =	vld.idx.msk [tilespmem:v33+s22+$0x0], $0xffff;
	[tilespmem:v35+s26+$0x0] =	vst.idx.msk $0xffff, v31  }
0x124: {  	v56 =	vor.u32 $0x7, v15;
	v62 =	vor.u32 $0x6, v13;
	v61 =	vld.idx.msk [tilespmem:v36+s22+$0x0], $0xffff  }
0x125: {  	[tilespmem:v26+s26+$0x0] =	vst.idx.msk $0xffff, v23;
	v63 =	vor.u32 $0x7, v14  }
0x126: {  	[tilespmem:v58+s26+$0x0] =	vst.idx.msk $0xffff, v28  }
0x127: {  	v40 =	vor.u32 $0x7, v9;
	v39 =	vld.idx.msk [tilespmem:v60+s22+$0x0], $0xffff;
	[tilespmem:v57+s26+$0x0] =	vst.idx.msk $0xffff, v55  }
0x128: {  	v38 =	vor.u32 $0x7, v12;
	v43 =	vor.u32 $0x8, v11;
	[tilespmem:v54+s26+$0x0] =	vst.idx.msk $0xffff, v53;
	v27 =	vld.idx.msk [tilespmem:v59+s22+$0x0], $0xffff  }
0x129: {  	v41 =	vor.u32 $0x8, v10;
	v36 =	vor.u32 $0x7, v16;
	v17 =	vld.idx.msk [tilespmem:v56+s22+$0x0], $0xffff;
	[tilespmem:v62+s26+$0x0] =	vst.idx.msk $0xffff, v61  }
0x12a: {  	v37 =	vor.u32 $0x8, v15;
	[tilespmem:v24+s26+$0x0] =	vst.idx.msk $0xffff, v18;
	v44 =	vor.u32 $0x7, v13;
	v42 =	vld.idx.msk [tilespmem:v63+s22+$0x0], $0xffff  }
0x12b: {  	v19 =	vld.idx.msk [tilespmem:v19+s22+$0x0], $0xffff;
	v45 =	vor.u32 $0xB, v2;
	v46 =	vor.u32 $0x8, v14;
	[tilespmem:v25+s26+$0x0] =	vst.idx.msk $0xffff, v21  }
0x12c: {  	v47 =	vor.u32 $0xC, v6;
	v48 =	vor.u32 $0xB, v3;
	v20 =	vld.idx.msk [tilespmem:v20+s22+$0x0], $0xffff;
	[tilespmem:v40+s26+$0x0] =	vst.idx.msk $0xffff, v39  }
0x12d: {  	v49 =	vor.u32 $0xC, v1;
	v53 =	vor.u32 $0x8, v9;
	v23 =	vld.idx.msk [tilespmem:v43+s22+$0x0], $0xffff;
	[tilespmem:v38+s26+$0x0] =	vst.idx.msk $0xffff, v27  }
0x12e: {  	v52 =	vor.u32 $0x8, v12;
	v57 =	vor.u32 $0x9, v11;
	[tilespmem:v36+s26+$0x0] =	vst.idx.msk $0xffff, v17;
	v28 =	vld.idx.msk [tilespmem:v41+s22+$0x0], $0xffff  }
0x12f: {  	v50 =	vor.u32 $0x8, v16;
	v54 =	vor.u32 $0x9, v10;
	v22 =	vld.idx.msk [tilespmem:v37+s22+$0x0], $0xffff;
	[tilespmem:v44+s26+$0x0] =	vst.idx.msk $0xffff, v42  }
0x130: {  	v51 =	vor.u32 $0x9, v15;
	[tilespmem:v45+s26+$0x0] =	vst.idx.msk $0xffff, v19;
	v56 =	vor.u32 $0x8, v13;
	v55 =	vld.idx.msk [tilespmem:v46+s22+$0x0], $0xffff  }
0x131: {  	v25 =	vld.idx.msk [tilespmem:v47+s22+$0x0], $0xffff;
	[tilespmem:v48+s26+$0x0] =	vst.idx.msk $0xffff, v20;
	v58 =	vor.u32 $0xC, v5;
	v59 =	vor.u32 $0x9, v14  }
0x132: {  	v60 =	vor.u32 $0xC, v4;
	v61 =	vor.u32 $0xC, v3;
	v17 =	vld.idx.msk [tilespmem:v49+s22+$0x0], $0xffff;
	[tilespmem:v53+s26+$0x0] =	vst.idx.msk $0xffff, v23  }
0x133: {  	v40 =	vor.u32 $0x9, v9;
	v62 =	vor.u32 $0xD, v6;
	v39 =	vld.idx.msk [tilespmem:v57+s22+$0x0], $0xffff;
	[tilespmem:v52+s26+$0x0] =	vst.idx.msk $0xffff, v28  }
0x134: {  	v38 =	vor.u32 $0x9, v12;
	v44 =	vor.u32 $0xA, v11;
	[tilespmem:v50+s26+$0x0] =	vst.idx.msk $0xffff, v22;
	v37 =	vld.idx.msk [tilespmem:v54+s22+$0x0], $0xffff  }
0x135: {  	v63 =	vor.u32 $0x9, v16;
	v41 =	vor.u32 $0xA, v10;
	v26 =	vld.idx.msk [tilespmem:v51+s22+$0x0], $0xffff;
	[tilespmem:v56+s26+$0x0] =	vst.idx.msk $0xffff, v55  }
0x136: {  	[tilespmem:v58+s26+$0x0] =	vst.idx.msk $0xffff, v25;
	v43 =	vor.u32 $0x9, v13;
	v36 =	vor.u32 $0xA, v15;
	v42 =	vld.idx.msk [tilespmem:v59+s22+$0x0], $0xffff  }
0x137: {  	v47 =	vor.u32 $0xA, v14;
	v45 =	vld.idx.msk [tilespmem:v60+s22+$0x0], $0xffff;
	[tilespmem:v61+s26+$0x0] =	vst.idx.msk $0xffff, v17;
	v46 =	vor.u32 $0xC, v2  }
0x138: {  	v48 =	vor.u32 $0xD, v1;
	v49 =	vor.u32 $0xD, v5;
	v22 =	vld.idx.msk [tilespmem:v62+s22+$0x0], $0xffff;
	[tilespmem:v40+s26+$0x0] =	vst.idx.msk $0xffff, v39  }
0x139: {  	v57 =	vor.u32 $0xA, v9;
	v50 =	vor.u32 $0xE, v8;
	[tilespmem:v38+s26+$0x0] =	vst.idx.msk $0xffff, v37;
	v56 =	vld.idx.msk [tilespmem:v44+s22+$0x0], $0xffff  }
0x13a: {  	v54 =	vor.u32 $0xA, v12;
	[tilespmem:v63+s26+$0x0] =	vst.idx.msk $0xffff, v26;
	v53 =	vld.idx.msk [tilespmem:v41+s22+$0x0], $0xffff;
	v59 =	vor.u32 $0xB, v11  }
0x13b: {  	v51 =	vor.u32 $0xA, v16;
	v55 =	vor.u32 $0xB, v10;
	v27 =	vld.idx.msk [tilespmem:v36+s22+$0x0], $0xffff;
	[tilespmem:v43+s26+$0x0] =	vst.idx.msk $0xffff, v42  }
0x13c: {  	v58 =	vor.u32 $0xA, v13;
	v52 =	vor.u32 $0xB, v15;
	[tilespmem:v46+s26+$0x0] =	vst.idx.msk $0xffff, v45;
	v17 =	vld.idx.msk [tilespmem:v47+s22+$0x0], $0xffff  }
0x13d: {  	v61 =	vor.u32 $0xD, v3;
	v60 =	vld.idx.msk [tilespmem:v48+s22+$0x0], $0xffff;
	v62 =	vor.u32 $0xB, v14;
	[tilespmem:v49+s26+$0x0] =	vst.idx.msk $0xffff, v22  }
0x13e: {  	v49 =	vor.u32 $0xE, v1;
	v26 =	vld.idx.msk [tilespmem:v50+s22+$0x0], $0xffff;
	v36 =	vor.u32 $0xE, v7;
	[tilespmem:v57+s26+$0x0] =	vst.idx.msk $0xffff, v56  }
0x13f: {  	v63 =	vor.u32 $0xD, v4;
	[tilespmem:v54+s26+$0x0] =	vst.idx.msk $0xffff, v53;
	v41 =	vld.idx.msk [tilespmem:v59+s22+$0x0], $0xffff;
	v43 =	vor.u32 $0xB, v9  }
0x140: {  	v40 =	vor.u32 $0xB, v12;
	v45 =	vor.u32 $0xC, v11;
	[tilespmem:v51+s26+$0x0] =	vst.idx.msk $0xffff, v27;
	v20 =	vld.idx.msk [tilespmem:v55+s22+$0x0], $0xffff  }
0x141: {  	v38 =	vor.u32 $0xB, v16;
	v42 =	vor.u32 $0xC, v10;
	v18 =	vld.idx.msk [tilespmem:v52+s22+$0x0], $0xffff;
	[tilespmem:v58+s26+$0x0] =	vst.idx.msk $0xffff, v17  }
0x142: {  	v39 =	vor.u32 $0xC, v15;
	[tilespmem:v61+s26+$0x0] =	vst.idx.msk $0xffff, v60;
	v44 =	vor.u32 $0xB, v13;
	v22 =	vld.idx.msk [tilespmem:v62+s22+$0x0], $0xffff  }
0x143: {  	v48 =	vor.u32 $0xC, v14;
	v61 =	vor.u32 $0xE, v3;
	v60 =	vld.idx.msk [tilespmem:v49+s22+$0x0], $0xffff;
	[tilespmem:v36+s26+$0x0] =	vst.idx.msk $0xffff, v26  }
0x144: {  	v37 =	vor.u32 $0xE, v6;
	v46 =	vld.idx.msk [tilespmem:v63+s22+$0x0], $0xffff;
	v47 =	vor.u32 $0xD, v2;
	[tilespmem:v43+s26+$0x0] =	vst.idx.msk $0xffff, v41  }
0x145: {  	v1 =	vor.u32 $0xF, v1;
	v57 =	vor.u32 $0xC, v9;
	[tilespmem:v40+s26+$0x0] =	vst.idx.msk $0xffff, v20;
	v56 =	vld.idx.msk [tilespmem:v45+s22+$0x0], $0xffff  }
0x146: {  	v54 =	vor.u32 $0xC, v12;
	v58 =	vor.u32 $0xD, v11;
	[tilespmem:v38+s26+$0x0] =	vst.idx.msk $0xffff, v18;
	v21 =	vld.idx.msk [tilespmem:v42+s22+$0x0], $0xffff  }
0x147: {  	v55 =	vor.u32 $0xD, v10;
	v52 =	vor.u32 $0xC, v16;
	v18 =	vld.idx.msk [tilespmem:v39+s22+$0x0], $0xffff;
	[tilespmem:v44+s26+$0x0] =	vst.idx.msk $0xffff, v22  }
0x148: {  	v53 =	vor.u32 $0xD, v15;
	v59 =	vor.u32 $0xC, v13;
	[tilespmem:v61+s26+$0x0] =	vst.idx.msk $0xffff, v60;
	v26 =	vld.idx.msk [tilespmem:v48+s22+$0x0], $0xffff  }
0x149: {  	v50 =	vor.u32 $0xE, v5;
	v27 =	vld.idx.msk [tilespmem:v37+s22+$0x0], $0xffff;
	[tilespmem:v47+s26+$0x0] =	vst.idx.msk $0xffff, v46;
	v62 =	vor.u32 $0xD, v14  }
0x14a: {  	v3 =	vor.u32 $0xF, v3;
	v51 =	vor.u32 $0xF, v8;
	v1 =	vld.idx.msk [tilespmem:v1+s22+$0x0], $0xffff;
	[tilespmem:v57+s26+$0x0] =	vst.idx.msk $0xffff, v56  }
0x14b: {  	v63 =	vor.u32 $0xE, v4;
	v41 =	vor.u32 $0xD, v9;
	[tilespmem:v54+s26+$0x0] =	vst.idx.msk $0xffff, v21;
	v39 =	vld.idx.msk [tilespmem:v58+s22+$0x0], $0xffff  }
0x14c: {  	v38 =	vor.u32 $0xD, v12;
	v42 =	vor.u32 $0xE, v11;
	[tilespmem:v52+s26+$0x0] =	vst.idx.msk $0xffff, v18;
	v37 =	vld.idx.msk [tilespmem:v55+s22+$0x0], $0xffff  }
0x14d: {  	v35 =	vor.u32 $0xD, v16;
	v40 =	vor.u32 $0xE, v10;
	v18 =	vld.idx.msk [tilespmem:v53+s22+$0x0], $0xffff;
	[tilespmem:v59+s26+$0x0] =	vst.idx.msk $0xffff, v26  }
0x14e: {  	v36 =	vor.u32 $0xE, v15;
	v43 =	vor.u32 $0xD, v13;
	[tilespmem:v50+s26+$0x0] =	vst.idx.msk $0xffff, v27;
	v26 =	vld.idx.msk [tilespmem:v62+s22+$0x0], $0xffff  }
0x14f: {  	v33 =	vor.u32 $0xF, v7;
	v8 =	vld.idx.msk [tilespmem:v51+s22+$0x0], $0xffff;
	v46 =	vor.u32 $0xE, v14;
	[tilespmem:v3+s26+$0x0] =	vst.idx.msk $0xffff, v1  }
0x150: {  	v34 =	vor.u32 $0xF, v6;
	v45 =	vld.idx.msk [tilespmem:v63+s22+$0x0], $0xffff;
	v44 =	vor.u32 $0xE, v2;
	[tilespmem:v41+s26+$0x0] =	vst.idx.msk $0xffff, v39  }
0x151: {  	v56 =	vor.u32 $0xE, v9;
	v48 =	vor.u32 $0xF, v4;
	[tilespmem:v38+s26+$0x0] =	vst.idx.msk $0xffff, v37;
	v55 =	vld.idx.msk [tilespmem:v42+s22+$0x0], $0xffff  }
0x152: {  	v57 =	vor.u32 $0xF, v11;
	v53 =	vor.u32 $0xE, v12;
	[tilespmem:v35+s26+$0x0] =	vst.idx.msk $0xffff, v18;
	v52 =	vld.idx.msk [tilespmem:v40+s22+$0x0], $0xffff  }
0x153: {  	v50 =	vor.u32 $0xE, v16;
	v54 =	vor.u32 $0xF, v10;
	v49 =	vld.idx.msk [tilespmem:v36+s22+$0x0], $0xffff;
	[tilespmem:v43+s26+$0x0] =	vst.idx.msk $0xffff, v26  }
0x154: {  	v51 =	vor.u32 $0xF, v15;
	[tilespmem:v33+s26+$0x0] =	vst.idx.msk $0xffff, v8;
	v58 =	vor.u32 $0xE, v13;
	v7 =	vld.idx.msk [tilespmem:v46+s22+$0x0], $0xffff  }
0x155: {  	v47 =	vor.u32 $0xF, v5;
	v6 =	vld.idx.msk [tilespmem:v34+s22+$0x0], $0xffff;
	[tilespmem:v44+s26+$0x0] =	vst.idx.msk $0xffff, v45;
	v59 =	vor.u32 $0xF, v14  }
0x156: {  	v2 =	vor.u32 $0xF, v2;
	v4 =	vld.idx.msk [tilespmem:v48+s22+$0x0], $0xffff;
	[tilespmem:v56+s26+$0x0] =	vst.idx.msk $0xffff, v55  }
0x157: {  	v63 =	vor.u32 $0xF, v9;
	[tilespmem:v53+s26+$0x0] =	vst.idx.msk $0xffff, v52;
	v11 =	vld.idx.msk [tilespmem:v57+s22+$0x0], $0xffff  }
0x158: {  	v62 =	vor.u32 $0xF, v12;
	[tilespmem:v50+s26+$0x0] =	vst.idx.msk $0xffff, v49;
	v10 =	vld.idx.msk [tilespmem:v54+s22+$0x0], $0xffff  }
0x159: {  	v61 =	vor.u32 $0xF, v16;
	v60 =	vld.idx.msk [tilespmem:v51+s22+$0x0], $0xffff;
	[tilespmem:v58+s26+$0x0] =	vst.idx.msk $0xffff, v7  }
0x15a: {  	v1 =	vor.u32 $0xF, v13;
	[tilespmem:v47+s26+$0x0] =	vst.idx.msk $0xffff, v6;
	v3 =	vld.idx.msk [tilespmem:v59+s22+$0x0], $0xffff  }
0x15b: {  	[tilespmem:v2+s26+$0x0] =	vst.idx.msk $0xffff, v4  }
0x15c: {  	[tilespmem:v63+s26+$0x0] =	vst.idx.msk $0xffff, v11  }
0x15d: {  	[tilespmem:v62+s26+$0x0] =	vst.idx.msk $0xffff, v10  }
0x15e: {  	[tilespmem:v61+s26+$0x0] =	vst.idx.msk $0xffff, v60  }
0x15f: {  	[tilespmem:v1+s26+$0x0] =	vst.idx.msk $0xffff, v3  }
0x160: {  	_ =	swait.ge [sflag:s28], $0x800  }
0x161: {  	[sflag:s28] =	ssyncset.done $0x0  }
0x162: {  	[sflag:s28] =	ssyncadd.s32 $0xFFFFF800  }
0x163: {  	_ =	swait.ge [sflag:s28], $0x800  }
0x164: {  	[sflag:s28] =	ssyncset.done $0x0  }
0x165: {  	[sflag:s28] =	ssyncadd.s32 $0xFFFFF800  }
0x166: {  	_ =	swait.ge [sflag:s28], $0x800  }
0x167: {  	[sflag:s28] =	ssyncset.done $0x0  }
0x168: {  	[sflag:s28] =	ssyncadd.s32 $0xFFFFF800  }
0x169: {  	_ =	swait.ge [sflag:s28], $0x800  }
0x16a: {  	[sflag:s28] =	ssyncset.done $0x0  }
0x16b: {  	[sflag:s28] =	ssyncadd.s32 $0xFFFFF800  }
0x16c: {  	_ =	swait.ge [sflag:s28], $0x800  }
0x16d: {  	[sflag:s28] =	ssyncset.done $0x0  }
0x16e: {  	[sflag:s28] =	ssyncadd.s32 $0xFFFFF800  }
0x16f: {  	_ =	swait.ge [sflag:s28], $0x800  }
0x170: {  	[sflag:s28] =	ssyncset.done $0x0  }
0x171: {  	[sflag:s28] =	ssyncadd.s32 $0xFFFFF800  }
0x172: {  	_ =	swait.ge [sflag:s28], $0x800  }
0x173: {  	[sflag:s28] =	ssyncset.done $0x0  }
0x174: {  	[sflag:s28] =	ssyncadd.s32 $0xFFFFF800  }
0x175: {  	_ =	swait.ge [sflag:s28], $0x800  }
0x176: {  	[sflag:s28] =	ssyncset.done $0x0  }
0x177: {  	[sflag:s28] =	ssyncadd.s32 $0xFFFFF800  }
0x178: {  	[hbm4b:s12+s2] =	stream.linear.scatter [tilespmem:s24], [sflag:$0x4], $0x2000, $0x38;
	[tilespmem:$0x6D00] =	vst v63  }
0x179: {  	_ = 	snop  }
0x17a: {  	[hbm4b:s13+s2] =	stream.linear.scatter [tilespmem:s30], [sflag:$0x4], $0x2000, $0x38;
	[tilespmem:$0x6D00] =	vst v63  }
0x17b: {  	_ = 	snop  }
0x17c: {  	[hbm4b:s14+s2] =	stream.linear.scatter [tilespmem:s26], [sflag:$0x4], $0x2000, $0x38;
	[tilespmem:$0x6D00] =	vst v63  }
0x17d: {  	_ =	swait.ge [sflag:s29], $0x2000  }
0x17e: {  	[sflag:s29] =	ssyncset.done $0x0  }
0x17f: {  	s31 =	sadd.s32 $0x1, s31;
	[sflag:s29] =	ssyncadd.s32 $0xFFFFE000  }
0x180: {  	p0 =	sne.s32 s31, s15;
	_ =	swait.ge [sflag:s29], $0x2000  }
.Ltmp1:
0x181: {  	[sflag:s29] =	ssyncset.done $0x0;
	(pc) =	sbr.rel @p0 .LBB2_1-.Ltmp1, $4  }
0x182: {  	[sflag:s29] =	ssyncadd.s32 $0xFFFFE000  }
0x183: {  	_ =	swait.ge [sflag:s29], $0x2000  }
0x184: {  	[sflag:s29] =	ssyncset.done $0x0  }
0x185: {  	[sflag:s29] =	ssyncadd.s32 $0xFFFFE000  }
0x186: {  	_ =	sfence.sel $0x180000  }
0x187: {  	[bflag:$0x0] =	sbarrier.arrive $0xFFFF  }
0x188: {  	_ =	strace $0x90000047  }
0x189: {  	s0 =	stileid.u32;
	[bflag:$0x2] =	sbarrier.arrive $0xFFFF  }
0x18a: {  	p0 =	sne.s32 s0, $0x0;
	s0 =	rddreg [dreg:$0x5]  }
0x18b: {  	s0 =	sadd.s32 @!p0 $0x100000, s0  }
0x18c: {  	[sflag:s0] =	ssyncadd.tile.s32 @!p0 $0x1;
	_ =	shalt  }
.Lfunc_end2:
_tile_overlayer_lowered:
.L_overlay_start_2:
0x18d: {  	(tag) =	ssettag $0x2  }
0x18e: {  	s0 =	rddreg [dreg:$0x0];
	s2 =	stileid.u32  }
0x18f: {  	s1 =	rddreg [dreg:$0x1];
	p0 =	sne.s32 s2, $0x0  }
0x190: {  	s3 =	rddreg [dreg:$0x2];
	[bflag:$0x3] =	sbarrier.arrive $0xFFFF;
	s2 =	simm.s32 @!p0 $0x1C05  }
0x191: {  	[timem:s3], [sflag:s2] =	dma.local @!p0 [hbm:s0], s1  }
0x192: {  	s0 =	simm.s32 @!p0 $0x5  }
0x193: {  	_ =	swait.ge @!p0 [sflag:s0], s1  }
0x194: {  	s1 =	ssub.s32 @!p0 $0x0, s1;
	[sflag:s0] =	ssyncset.done @!p0 $0x0  }
0x195: {  	[sflag:s0] =	ssyncadd.s32 @!p0 s1  }
0x196: {  	[bflag:$0x3] =	sbarrier.arrive $0xFFFF  }
0x197: {  	_ =	shalt  }

</sc_bundles>
